<compile_context>
chip_gen: v7x
topology: tpu7x:2x2x1
jax: 0.10.2.dev20260603
libtpu: 0.0.44.dev20260713+nightly
codegen_flags: <defaults>
</compile_context>

<pallas_src>
import jax
import jax.numpy as jnp
from jax import lax
from jax.experimental import pallas as pl
from jax.experimental.pallas import tpu as pltpu
from jax.experimental.pallas import tpu_sc as plsc

N = 10000
E = 320000
D = 128
NC = 2
NS = 16
NW = NC * NS
L = 16

IPW = (2 * E) // NW

CHUNK = 128
NCHUNK = 158
GCHUNK = NW * NCHUNK
NPAD = 10240
DUMMY_DST = N + 100
ROWS_PER_TILE = NPAD // NS
EXP_CHUNK = 64
NEXP = ROWS_PER_TILE // EXP_CHUNK

def _mesh():
    return plsc.VectorSubcoreMesh(core_axis_name="c", subcore_axis_name="s")


def _deg_body(ei_hbm, degs_hbm, idx_v, hist_v):
    c = lax.axis_index("c")
    s = lax.axis_index("s")
    wid = c * NS + s

    zeros = jnp.zeros((L,), jnp.float32)

    def zero(i, carry):
        hist_v[pl.ds(i * L, L)] = zeros
        return carry

    lax.fori_loop(0, N // L, zero, 0)

    pltpu.sync_copy(ei_hbm.at[pl.ds(wid * IPW, IPW)], idx_v)

    ones = jnp.ones((L,), jnp.float32)

    def accum(i, carry):
        idx = idx_v[pl.ds(i * L, L)]
        plsc.addupdate_scatter(hist_v, [idx], ones)
        return carry

    lax.fori_loop(0, IPW // L, accum, 0)

    pltpu.sync_copy(hist_v, degs_hbm.at[wid])


def _deg_call(ei_flat):
    fn = pl.kernel(
        _deg_body,
        out_type=jax.ShapeDtypeStruct((NW, N), jnp.float32),
        mesh=_mesh(),
        scratch_types=[
            pltpu.VMEM((IPW,), jnp.int32),
            pltpu.VMEM((N,), jnp.float32),
        ],
        compiler_params=pltpu.CompilerParams(needs_layout_passes=False),
    )
    return fn(ei_flat)


def _mm_body(x_ref, wt_ref, b_ref, degs_ref, hn_ref):
    d = jnp.sum(degs_ref[...], axis=0) + 1.0
    dinv = lax.rsqrt(d)
    h = jnp.dot(x_ref[...], wt_ref[...], preferred_element_type=jnp.float32)
    hn_ref[...] = (h + b_ref[...]) * dinv[:, None]


def _mm_call(x, wt, b2, degs):
    return pl.pallas_call(
        _mm_body,
        out_shape=jax.ShapeDtypeStruct((N, D), jnp.float32),
    )(x, wt, b2, degs)


def _agg_body(hn_hbm, cidx_hbm, out_hbm,
              cs0, cs1, ds0, ds1, buf0, buf1, stage_v,
              acc_sh,
              isem0, isem1, gsem0, gsem1, ssem0, ssem1, esem):
    c = lax.axis_index("c")
    s = lax.axis_index("s")
    wid = c * NS + s

    zeros = jnp.zeros((L,), jnp.float32)

    def zero(i, carry):
        r = lax.shift_right_logical(i, 3)
        col = lax.bitwise_and(i, 7)
        stage_v[r, pl.ds(col * L, L)] = zeros
        return carry

    lax.fori_loop(0, EXP_CHUNK * (D // L), zero, 0)

    for j in range(NEXP):
        base = s * ROWS_PER_TILE + j * EXP_CHUNK
        pltpu.async_copy(stage_v, acc_sh.at[pl.ds(base, EXP_CHUNK)], esem)
    for j in range(NEXP):
        base = s * ROWS_PER_TILE + j * EXP_CHUNK
        pltpu.make_async_copy(stage_v, acc_sh.at[pl.ds(base, EXP_CHUNK)],
                              esem).wait()
    plsc.subcore_barrier()

    slots = ((cs0, ds0, buf0, isem0, gsem0, ssem0),
             (cs1, ds1, buf1, isem1, gsem1, ssem1))

    def chunk_of(k):
        return k * NW + wid

    def copy_ds(p):
        cs, ds = slots[p][0], slots[p][1]
        for kk in range(CHUNK // L):
            ds[pl.ds(kk * L, L)] = cs[1, pl.ds(kk * L, L)]

    def start_idx(k, p):
        pltpu.async_copy(cidx_hbm.at[chunk_of(k)], slots[p][0], slots[p][3])

    def wait_idx(k, p):
        pltpu.make_async_copy(cidx_hbm.at[chunk_of(k)], slots[p][0],
                              slots[p][3]).wait()

    def start_gather(p):
        pltpu.async_copy(hn_hbm.at[slots[p][0].at[0]], slots[p][2],
                         slots[p][4])

    def wait_gather(p):
        pltpu.make_async_copy(hn_hbm.at[slots[p][0].at[0]], slots[p][2],
                              slots[p][4]).wait()

    def start_scatter(p):
        pltpu.async_copy(slots[p][2], acc_sh.at[slots[p][1]], slots[p][5],
                         add=True)

    def wait_scatter(p):
        pltpu.make_async_copy(slots[p][2], acc_sh.at[slots[p][1]],
                              slots[p][5]).wait()

    def step(k, p, do_idx=True, do_gather=True, do_wait_scatter=True):
        q = 1 - p
        if do_gather:
            wait_idx(k + 1, q)
            if do_wait_scatter:
                wait_scatter(q)
            start_gather(q)
        wait_gather(p)
        copy_ds(p)
        start_scatter(p)
        if do_idx:
            start_idx(k + 2, p)

    start_idx(jnp.int32(0), 0)
    wait_idx(jnp.int32(0), 0)
    start_gather(0)
    start_idx(jnp.int32(1), 1)

    step(jnp.int32(0), 0, do_wait_scatter=False)

    def pair(t, carry):
        step(2 * t + 1, 1)
        step(2 * t + 2, 0)
        return carry

    lax.fori_loop(0, (NCHUNK - 4) // 2, pair, 0)

    step(jnp.int32(NCHUNK - 3), 1)
    step(jnp.int32(NCHUNK - 2), 0, do_idx=False)
    step(jnp.int32(NCHUNK - 1), 1, do_idx=False, do_gather=False)
    wait_scatter(0)
    wait_scatter(1)

    plsc.subcore_barrier()

    for j in range(NEXP):
        base = s * ROWS_PER_TILE + j * EXP_CHUNK
        pltpu.async_copy(acc_sh.at[pl.ds(base, EXP_CHUNK)],
                         out_hbm.at[c, pl.ds(base, EXP_CHUNK)], esem)
    for j in range(NEXP):
        base = s * ROWS_PER_TILE + j * EXP_CHUNK
        pltpu.make_async_copy(acc_sh.at[pl.ds(base, EXP_CHUNK)],
                              out_hbm.at[c, pl.ds(base, EXP_CHUNK)],
                              esem).wait()


def _agg_call(hn, cidx):
    fn = pl.kernel(
        _agg_body,
        out_type=jax.ShapeDtypeStruct((NC, NPAD, D), jnp.float32),
        mesh=_mesh(),
        scratch_types=[
            pltpu.VMEM((2, CHUNK), jnp.int32),
            pltpu.VMEM((2, CHUNK), jnp.int32),
            pltpu.VMEM((CHUNK,), jnp.int32),
            pltpu.VMEM((CHUNK,), jnp.int32),
            pltpu.VMEM((CHUNK, D), jnp.float32),
            pltpu.VMEM((CHUNK, D), jnp.float32),
            pltpu.VMEM((EXP_CHUNK, D), jnp.float32),
            pltpu.VMEM_SHARED((NPAD, D), jnp.float32),
            pltpu.SemaphoreType.DMA,
            pltpu.SemaphoreType.DMA,
            pltpu.SemaphoreType.DMA,
            pltpu.SemaphoreType.DMA,
            pltpu.SemaphoreType.DMA,
            pltpu.SemaphoreType.DMA,
            pltpu.SemaphoreType.DMA,
        ],
        compiler_params=pltpu.CompilerParams(needs_layout_passes=False),
    )
    return fn(hn, cidx)


def _comb_body(acc_ref, hn_ref, degs_ref, o_ref):
    d = jnp.sum(degs_ref[...], axis=0) + 1.0
    dinv = lax.rsqrt(d)
    o_ref[...] = (acc_ref[0, :N] + acc_ref[1, :N] + hn_ref[...]) * dinv[:, None]


def _comb_call(acc, hn, degs):
    return pl.pallas_call(
        _comb_body,
        out_shape=jax.ShapeDtypeStruct((N, D), jnp.float32),
    )(acc, hn, degs)


def kernel(x, edge_index_und, W, b):
    ei_flat = edge_index_und.reshape(2 * E)
    n_pad = GCHUNK * CHUNK - 2 * E
    src_p = jnp.concatenate([ei_flat, jnp.zeros((n_pad,), jnp.int32)])
    dst_p = jnp.concatenate([jnp.roll(ei_flat, -E),
                             jnp.full((n_pad,), DUMMY_DST, jnp.int32)])
    cidx = jnp.stack([src_p.reshape(GCHUNK, CHUNK),
                      dst_p.reshape(GCHUNK, CHUNK)], axis=1)
    degs = _deg_call(ei_flat)
    hn = _mm_call(x, W.T, b.reshape(1, D), degs)
    acc = _agg_call(hn, cidx)
    return _comb_call(acc, hn, degs)

# --- scband reference (transcript-rebuilt; emitter-appended) ---
"""Pipeline reference for scband-graph-conv-84378927497742 (READ-ONLY COPY).

The authoritative reference and input builder live on the scoring server;
editing this copy changes nothing except your own understanding.
"""

import jax, jax.numpy as jnp
import numpy as np

N_NODES = 10000
N_EDGES = 320000
D_IN = 128
D_OUT = 128


def setup_inputs(seed: int = 0) -> dict:
    key = jax.random.key(seed)
    k1, k2, k3, k4 = jax.random.split(key, 4)
    x = jax.random.normal(k1, (N_NODES, D_IN), dtype=jnp.float32)
    edge_index_und = jax.random.randint(k2, (2, N_EDGES), 0, N_NODES, dtype=jnp.int32)
    # nn.Linear(in_channels, out_channels) params: W [out, in], b [out]
    bound = 1.0 / np.sqrt(D_IN)
    W = jax.random.uniform(k3, (D_OUT, D_IN), dtype=jnp.float32, minval=-bound, maxval=bound)
    b = jax.random.uniform(k4, (D_OUT,), dtype=jnp.float32, minval=-bound, maxval=bound)
    return {"x": x, "edge_index_und": edge_index_und, "W": W, "b": b}


def reference(x, edge_index_und, W, b):
    N = x.shape[0]
    u = edge_index_und[0]
    v = edge_index_und[1]
    # undirected degree + self loop
    deg = jnp.zeros((N,), dtype=jnp.float32)
    deg = deg.at[u].add(1.0)
    deg = deg.at[v].add(1.0)
    deg = deg + 1.0
    # directed edges with self loops: (u->v), (v->u), (i->i)
    self_loops = jnp.arange(N, dtype=edge_index_und.dtype)
    src = jnp.concatenate([u, v, self_loops], axis=0)
    dst = jnp.concatenate([v, u, self_loops], axis=0)
    norm = jax.lax.rsqrt(jnp.maximum(deg[src] * deg[dst], 1e-12))
    h = x @ W.T + b
    msgs = h[src] * norm[:, None]
    out = jnp.zeros_like(h).at[dst].add(msgs)
    return out

if __name__ == "__main__":
    import jax
    _d = setup_inputs()
    print(jax.jit(kernel)(*tuple(_d.values())))

</pallas_src>

<mosaic_0001>
#map = affine_map<(d0, d1) -> (0)>
#map1 = affine_map<(d0, d1) -> (0, 0)>
module attributes {stable_mosaic.version = 14 : i64} {
  func.func @_deg_body(%arg0: i32, %arg1: i32, %arg2: memref<640000xi32, #tpu.memory_space<hbm>>, %arg3: memref<32x10000xf32, #tpu.memory_space<hbm>>, %arg4: memref<20000xi32, #tpu.memory_space<vmem>>, %arg5: memref<10000xf32, #tpu.memory_space<vmem>>) attributes {dimension_semantics = [#tpu.dimension_semantics<core_parallel>, #tpu.dimension_semantics<subcore_parallel>], iteration_bounds = array<i64: 2, 16>, scalar_prefetch = 0 : i64, scratch_operands = 2 : i64, tpu.core_type = #tpu.core_type<sc_vector_subcore>, window_params = [{transform_indices = #map}, {transform_indices = #map1}]} {
    %mul3A = arith.constant 16 : i32
    %mul3A_0 = arith.muli %arg0, %mul3A : i32
    %add3A = arith.addi %mul3A_0, %arg1 : i32
    %broadcast_in_dim3A = arith.constant 0.000000e+00 : f32
    %broadcast_in_dim3A_1 = vector.broadcast %broadcast_in_dim3A : f32 to vector<16xf32>
    %scan3A = arith.constant 0 : i32
    %scan3A_2 = arith.constant 0 : i32
    %scan3A_3 = arith.constant 625 : i32
    %scan3A_4 = arith.addi %scan3A_2, %scan3A_3 : i32
    %scan3A_5 = arith.constant 1 : i32
    scf.for %scan3A_17 = %scan3A_2 to %scan3A_4 step %scan3A_5  : i32 {
      %mul3A_18 = arith.constant 16 : i32
      %mul3A_19 = arith.muli %scan3A_17, %mul3A_18 : i32
      %swap3A = arith.index_cast %mul3A_19 : i32 to index
      %swap3A_20 = tpu.vector_load %arg5[%swap3A] {strides = array<i32>} : memref<10000xf32, #tpu.memory_space<vmem>>, vector<16xf32>,
      tpu.vector_store %arg5[%swap3A], %broadcast_in_dim3A_1 {strides = array<i32>} : memref<10000xf32, #tpu.memory_space<vmem>>, vector<16xf32>,
    }
    %scan3A_6 = arith.constant 625 : i32
    %mul3A_7 = arith.constant 20000 : i32
    %mul3A_8 = arith.muli %add3A, %mul3A_7 : i32
    "tpu.region"() ({
      %run_scoped3A = tpu.sem_alloc : memref<!tpu.dma_semaphore, #tpu.memory_space<semaphore_mem>>
      %dma_start3A = tpu.memref_slice %arg2[%mul3A_8] : memref<640000xi32, #tpu.memory_space<hbm>> -> memref<20000xi32, #tpu.memory_space<hbm>>
      %dma_start3A_17 = tpu.memref_slice %arg2[%mul3A_8] : memref<640000xi32, #tpu.memory_space<hbm>> -> memref<20000xi32, #tpu.memory_space<hbm>>
      tpu.enqueue_dma source(%dma_start3A_17 : memref<20000xi32, #tpu.memory_space<hbm>>) target(%arg4 : memref<20000xi32, #tpu.memory_space<vmem>>) target_semaphore(%run_scoped3A : memref<!tpu.dma_semaphore, #tpu.memory_space<semaphore_mem>>)
      %dma_wait3A = tpu.memref_slice %arg2[%mul3A_8] : memref<640000xi32, #tpu.memory_space<hbm>> -> memref<20000xi32, #tpu.memory_space<hbm>>
      %dma_wait3A_18 = tpu.memref_slice %arg2[%mul3A_8] : memref<640000xi32, #tpu.memory_space<hbm>> -> memref<20000xi32, #tpu.memory_space<hbm>>
      tpu.wait_dma2 semaphore(%run_scoped3A : memref<!tpu.dma_semaphore, #tpu.memory_space<semaphore_mem>>) src(%dma_wait3A_18 : memref<20000xi32, #tpu.memory_space<hbm>>) dst(%arg4 : memref<20000xi32, #tpu.memory_space<vmem>>)
      tpu.yield
    }) : () -> ()
    %broadcast_in_dim3A_9 = arith.constant 1.000000e+00 : f32
    %broadcast_in_dim3A_10 = vector.broadcast %broadcast_in_dim3A_9 : f32 to vector<16xf32>
    %scan3A_11 = arith.constant 0 : i32
    %scan3A_12 = arith.constant 0 : i32
    %scan3A_13 = arith.constant 1250 : i32
    %scan3A_14 = arith.addi %scan3A_12, %scan3A_13 : i32
    %scan3A_15 = arith.constant 1 : i32
    scf.for %scan3A_17 = %scan3A_12 to %scan3A_14 step %scan3A_15  : i32 {
      %mul3A_18 = arith.constant 16 : i32
      %mul3A_19 = arith.muli %scan3A_17, %mul3A_18 : i32
      %get3A = arith.index_cast %mul3A_19 : i32 to index
      %get3A_20 = tpu.vector_load %arg4[%get3A] {strides = array<i32>} : memref<20000xi32, #tpu.memory_space<vmem>>, vector<16xi32>,
      tpu.vector_store_idx %arg5[%get3A_20], %broadcast_in_dim3A_10 {add = true} : memref<10000xf32, #tpu.memory_space<vmem>>[vector<16xi32>], vector<16xf32>,
    }
    %scan3A_16 = arith.constant 1250 : i32
    "tpu.region"() ({
      %run_scoped3A = tpu.sem_alloc : memref<!tpu.dma_semaphore, #tpu.memory_space<semaphore_mem>>
      %dma_start3A = arith.constant 0 : i32
      %dma_start3A_17 = tpu.memref_slice %arg3[%add3A, %dma_start3A] : memref<32x10000xf32, #tpu.memory_space<hbm>> -> memref<1x10000xf32, #tpu.memory_space<hbm>>
      %dma_start3A_18 = tpu.memref_squeeze %dma_start3A_17 : memref<1x10000xf32, #tpu.memory_space<hbm>> -> memref<10000xf32, #tpu.memory_space<hbm>>
      %dma_start3A_19 = arith.constant 0 : i32
      %dma_start3A_20 = tpu.memref_slice %arg3[%add3A, %dma_start3A_19] : memref<32x10000xf32, #tpu.memory_space<hbm>> -> memref<1x10000xf32, #tpu.memory_space<hbm>>
      %dma_start3A_21 = tpu.memref_squeeze %dma_start3A_20 : memref<1x10000xf32, #tpu.memory_space<hbm>> -> memref<10000xf32, #tpu.memory_space<hbm>>
      tpu.enqueue_dma source(%arg5 : memref<10000xf32, #tpu.memory_space<vmem>>) target(%dma_start3A_21 : memref<10000xf32, #tpu.memory_space<hbm>>) target_semaphore(%run_scoped3A : memref<!tpu.dma_semaphore, #tpu.memory_space<semaphore_mem>>)
      %dma_wait3A = arith.constant 0 : i32
      %dma_wait3A_22 = tpu.memref_slice %arg3[%add3A, %dma_wait3A] : memref<32x10000xf32, #tpu.memory_space<hbm>> -> memref<1x10000xf32, #tpu.memory_space<hbm>>
      %dma_wait3A_23 = tpu.memref_squeeze %dma_wait3A_22 : memref<1x10000xf32, #tpu.memory_space<hbm>> -> memref<10000xf32, #tpu.memory_space<hbm>>
      %dma_wait3A_24 = arith.constant 0 : i32
      %dma_wait3A_25 = tpu.memref_slice %arg3[%add3A, %dma_wait3A_24] : memref<32x10000xf32, #tpu.memory_space<hbm>> -> memref<1x10000xf32, #tpu.memory_space<hbm>>
      %dma_wait3A_26 = tpu.memref_squeeze %dma_wait3A_25 : memref<1x10000xf32, #tpu.memory_space<hbm>> -> memref<10000xf32, #tpu.memory_space<hbm>>
      tpu.wait_dma2 semaphore(%run_scoped3A : memref<!tpu.dma_semaphore, #tpu.memory_space<semaphore_mem>>) src(%arg5 : memref<10000xf32, #tpu.memory_space<vmem>>) dst(%dma_wait3A_26 : memref<10000xf32, #tpu.memory_space<hbm>>)
      tpu.yield
    }) : () -> ()
    return
  }
}

#map = affine_map<(d0, d1) -> (0, 0)>
#map1 = affine_map<(d0, d1) -> (0, 0, 0)>
module attributes {stable_mosaic.version = 14 : i64} {
  func.func @_agg_body(%arg0: i32, %arg1: i32, %arg2: memref<10000x128xf32, #tpu.memory_space<hbm>>, %arg3: memref<5056x2x128xi32, #tpu.memory_space<hbm>>, %arg4: memref<2x10240x128xf32, #tpu.memory_space<hbm>>, %arg5: memref<2x128xi32, #tpu.memory_space<vmem>>, %arg6: memref<2x128xi32, #tpu.memory_space<vmem>>, %arg7: memref<128xi32, #tpu.memory_space<vmem>>, %arg8: memref<128xi32, #tpu.memory_space<vmem>>, %arg9: memref<128x128xf32, #tpu.memory_space<vmem>>, %arg10: memref<128x128xf32, #tpu.memory_space<vmem>>, %arg11: memref<64x128xf32, #tpu.memory_space<vmem>>, %arg12: memref<10240x128xf32, #tpu.memory_space<vmem_shared>>, %arg13: memref<!tpu.dma_semaphore, #tpu.memory_space<semaphore_mem>>, %arg14: memref<!tpu.dma_semaphore, #tpu.memory_space<semaphore_mem>>, %arg15: memref<!tpu.dma_semaphore, #tpu.memory_space<semaphore_mem>>, %arg16: memref<!tpu.dma_semaphore, #tpu.memory_space<semaphore_mem>>, %arg17: memref<!tpu.dma_semaphore, #tpu.memory_space<semaphore_mem>>, %arg18: memref<!tpu.dma_semaphore, #tpu.memory_space<semaphore_mem>>, %arg19: memref<!tpu.dma_semaphore, #tpu.memory_space<semaphore_mem>>) attributes {dimension_semantics = [#tpu.dimension_semantics<core_parallel>, #tpu.dimension_semantics<subcore_parallel>], iteration_bounds = array<i64: 2, 16>, scalar_prefetch = 0 : i64, scratch_operands = 15 : i64, tpu.core_type = #tpu.core_type<sc_vector_subcore>, window_params = [{transform_indices = #map}, {transform_indices = #map1}, {transform_indices = #map1}]} {
    %mul3A = arith.constant 16 : i32
    %mul3A_0 = arith.muli %arg0, %mul3A : i32
    %add3A = arith.addi %mul3A_0, %arg1 : i32
    %broadcast_in_dim3A = arith.constant 0.000000e+00 : f32
    %broadcast_in_dim3A_1 = vector.broadcast %broadcast_in_dim3A : f32 to vector<16xf32>
    %scan3A = arith.constant 0 : i32
    %scan3A_2 = arith.constant 0 : i32
    %scan3A_3 = arith.constant 512 : i32
    %scan3A_4 = arith.addi %scan3A_2, %scan3A_3 : i32
    %scan3A_5 = arith.constant 1 : i32
    scf.for %scan3A_728 = %scan3A_2 to %scan3A_4 step %scan3A_5  : i32 {
      %shift_right_logical3A = arith.constant 3 : i32
      %shift_right_logical3A_729 = arith.shrui %scan3A_728, %shift_right_logical3A : i32
      %and3A = arith.constant 7 : i32
      %and3A_730 = arith.andi %scan3A_728, %and3A : i32
      %mul3A_731 = arith.constant 16 : i32
      %mul3A_732 = arith.muli %and3A_730, %mul3A_731 : i32
      %swap3A_733 = arith.index_cast %shift_right_logical3A_729 : i32 to index
      %swap3A_734 = arith.index_cast %mul3A_732 : i32 to index
      %swap3A_735 = tpu.vector_load %arg11[%swap3A_733, %swap3A_734] {strides = array<i32>} : memref<64x128xf32, #tpu.memory_space<vmem>>, vector<16xf32>,
      tpu.vector_store %arg11[%swap3A_733, %swap3A_734], %broadcast_in_dim3A_1 {strides = array<i32>} : memref<64x128xf32, #tpu.memory_space<vmem>>, vector<16xf32>,
    }
    %scan3A_6 = arith.constant 512 : i32
    %mul3A_7 = arith.constant 640 : i32
    %mul3A_8 = arith.muli %arg1, %mul3A_7 : i32
    %add3A_9 = arith.constant 0 : i32
    %add3A_10 = arith.addi %mul3A_8, %add3A_9 : i32
    %dma_start3A = arith.constant 0 : i32
    %dma_start3A_11 = tpu.memref_slice %arg12[%add3A_10, %dma_start3A] : memref<10240x128xf32, #tpu.memory_space<vmem_shared>> -> memref<64x128xf32, #tpu.memory_space<vmem_shared>>
    %dma_start3A_12 = arith.constant 0 : i32
    %dma_start3A_13 = tpu.memref_slice %arg12[%add3A_10, %dma_start3A_12] : memref<10240x128xf32, #tpu.memory_space<vmem_shared>> -> memref<64x128xf32, #tpu.memory_space<vmem_shared>>
    tpu.enqueue_dma source(%arg11 : memref<64x128xf32, #tpu.memory_space<vmem>>) target(%dma_start3A_13 : memref<64x128xf32, #tpu.memory_space<vmem_shared>>) target_semaphore(%arg19 : memref<!tpu.dma_semaphore, #tpu.memory_space<semaphore_mem>>)
    %mul3A_14 = arith.constant 640 : i32
    %mul3A_15 = arith.muli %arg1, %mul3A_14 : i32
    %add3A_16 = arith.constant 64 : i32
    %add3A_17 = arith.addi %mul3A_15, %add3A_16 : i32
    %dma_start3A_18 = arith.constant 0 : i32
    %dma_start3A_19 = tpu.memref_slice %arg12[%add3A_17, %dma_start3A_18] : memref<10240x128xf32, #tpu.memory_space<vmem_shared>> -> memref<64x128xf32, #tpu.memory_space<vmem_shared>>
    %dma_start3A_20 = arith.constant 0 : i32
    %dma_start3A_21 = tpu.memref_slice %arg12[%add3A_17, %dma_start3A_20] : memref<10240x128xf32, #tpu.memory_space<vmem_shared>> -> memref<64x128xf32, #tpu.memory_space<vmem_shared>>
    tpu.enqueue_dma source(%arg11 : memref<64x128xf32, #tpu.memory_space<vmem>>) target(%dma_start3A_21 : memref<64x128xf32, #tpu.memory_space<vmem_shared>>) target_semaphore(%arg19 : memref<!tpu.dma_semaphore, #tpu.memory_space<semaphore_mem>>)
    %mul3A_22 = arith.constant 640 : i32
    %mul3A_23 = arith.muli %arg1, %mul3A_22 : i32
    %add3A_24 = arith.constant 128 : i32
    %add3A_25 = arith.addi %mul3A_23, %add3A_24 : i32
    %dma_start3A_26 = arith.constant 0 : i32
    %dma_start3A_27 = tpu.memref_slice %arg12[%add3A_25, %dma_start3A_26] : memref<10240x128xf32, #tpu.memory_space<vmem_shared>> -> memref<64x128xf32, #tpu.memory_space<vmem_shared>>
    %dma_start3A_28 = arith.constant 0 : i32
    %dma_start3A_29 = tpu.memref_slice %arg12[%add3A_25, %dma_start3A_28] : memref<10240x128xf32, #tpu.memory_space<vmem_shared>> -> memref<64x128xf32, #tpu.memory_space<vmem_shared>>
    tpu.enqueue_dma source(%arg11 : memref<64x128xf32, #tpu.memory_space<vmem>>) target(%dma_start3A_29 : memref<64x128xf32, #tpu.memory_space<vmem_shared>>) target_semaphore(%arg19 : memref<!tpu.dma_semaphore, #tpu.memory_space<semaphore_mem>>)
    %mul3A_30 = arith.constant 640 : i32
    %mul3A_31 = arith.muli %arg1, %mul3A_30 : i32
    %add3A_32 = arith.constant 192 : i32
    %add3A_33 = arith.addi %mul3A_31, %add3A_32 : i32
    %dma_start3A_34 = arith.constant 0 : i32
    %dma_start3A_35 = tpu.memref_slice %arg12[%add3A_33, %dma_start3A_34] : memref<10240x128xf32, #tpu.memory_space<vmem_shared>> -> memref<64x128xf32, #tpu.memory_space<vmem_shared>>
    %dma_start3A_36 = arith.constant 0 : i32
    %dma_start3A_37 = tpu.memref_slice %arg12[%add3A_33, %dma_start3A_36] : memref<10240x128xf32, #tpu.memory_space<vmem_shared>> -> memref<64x128xf32, #tpu.memory_space<vmem_shared>>
    tpu.enqueue_dma source(%arg11 : memref<64x128xf32, #tpu.memory_space<vmem>>) target(%dma_start3A_37 : memref<64x128xf32, #tpu.memory_space<vmem_shared>>) target_semaphore(%arg19 : memref<!tpu.dma_semaphore, #tpu.memory_space<semaphore_mem>>)
    %mul3A_38 = arith.constant 640 : i32
    %mul3A_39 = arith.muli %arg1, %mul3A_38 : i32
    %add3A_40 = arith.constant 256 : i32
    %add3A_41 = arith.addi %mul3A_39, %add3A_40 : i32
    %dma_start3A_42 = arith.constant 0 : i32
    %dma_start3A_43 = tpu.memref_slice %arg12[%add3A_41, %dma_start3A_42] : memref<10240x128xf32, #tpu.memory_space<vmem_shared>> -> memref<64x128xf32, #tpu.memory_space<vmem_shared>>
    %dma_start3A_44 = arith.constant 0 : i32
    %dma_start3A_45 = tpu.memref_slice %arg12[%add3A_41, %dma_start3A_44] : memref<10240x128xf32, #tpu.memory_space<vmem_shared>> -> memref<64x128xf32, #tpu.memory_space<vmem_shared>>
    tpu.enqueue_dma source(%arg11 : memref<64x128xf32, #tpu.memory_space<vmem>>) target(%dma_start3A_45 : memref<64x128xf32, #tpu.memory_space<vmem_shared>>) target_semaphore(%arg19 : memref<!tpu.dma_semaphore, #tpu.memory_space<semaphore_mem>>)
    %mul3A_46 = arith.constant 640 : i32
    %mul3A_47 = arith.muli %arg1, %mul3A_46 : i32
    %add3A_48 = arith.constant 320 : i32
    %add3A_49 = arith.addi %mul3A_47, %add3A_48 : i32
    %dma_start3A_50 = arith.constant 0 : i32
    %dma_start3A_51 = tpu.memref_slice %arg12[%add3A_49, %dma_start3A_50] : memref<10240x128xf32, #tpu.memory_space<vmem_shared>> -> memref<64x128xf32, #tpu.memory_space<vmem_shared>>
    %dma_start3A_52 = arith.constant 0 : i32
    %dma_start3A_53 = tpu.memref_slice %arg12[%add3A_49, %dma_start3A_52] : memref<10240x128xf32, #tpu.memory_space<vmem_shared>> -> memref<64x128xf32, #tpu.memory_space<vmem_shared>>
    tpu.enqueue_dma source(%arg11 : memref<64x128xf32, #tpu.memory_space<vmem>>) target(%dma_start3A_53 : memref<64x128xf32, #tpu.memory_space<vmem_shared>>) target_semaphore(%arg19 : memref<!tpu.dma_semaphore, #tpu.memory_space<semaphore_mem>>)
    %mul3A_54 = arith.constant 640 : i32
    %mul3A_55 = arith.muli %arg1, %mul3A_54 : i32
    %add3A_56 = arith.constant 384 : i32
    %add3A_57 = arith.addi %mul3A_55, %add3A_56 : i32
    %dma_start3A_58 = arith.constant 0 : i32
    %dma_start3A_59 = tpu.memref_slice %arg12[%add3A_57, %dma_start3A_58] : memref<10240x128xf32, #tpu.memory_space<vmem_shared>> -> memref<64x128xf32, #tpu.memory_space<vmem_shared>>
    %dma_start3A_60 = arith.constant 0 : i32
    %dma_start3A_61 = tpu.memref_slice %arg12[%add3A_57, %dma_start3A_60] : memref<10240x128xf32, #tpu.memory_space<vmem_shared>> -> memref<64x128xf32, #tpu.memory_space<vmem_shared>>
    tpu.enqueue_dma source(%arg11 : memref<64x128xf32, #tpu.memory_space<vmem>>) target(%dma_start3A_61 : memref<64x128xf32, #tpu.memory_space<vmem_shared>>) target_semaphore(%arg19 : memref<!tpu.dma_semaphore, #tpu.memory_space<semaphore_mem>>)
    %mul3A_62 = arith.constant 640 : i32
    %mul3A_63 = arith.muli %arg1, %mul3A_62 : i32
    %add3A_64 = arith.constant 448 : i32
    %add3A_65 = arith.addi %mul3A_63, %add3A_64 : i32
    %dma_start3A_66 = arith.constant 0 : i32
    %dma_start3A_67 = tpu.memref_slice %arg12[%add3A_65, %dma_start3A_66] : memref<10240x128xf32, #tpu.memory_space<vmem_shared>> -> memref<64x128xf32, #tpu.memory_space<vmem_shared>>
    %dma_start3A_68 = arith.constant 0 : i32
    %dma_start3A_69 = tpu.memref_slice %arg12[%add3A_65, %dma_start3A_68] : memref<10240x128xf32, #tpu.memory_space<vmem_shared>> -> memref<64x128xf32, #tpu.memory_space<vmem_shared>>
    tpu.enqueue_dma source(%arg11 : memref<64x128xf32, #tpu.memory_space<vmem>>) target(%dma_start3A_69 : memref<64x128xf32, #tpu.memory_space<vmem_shared>>) target_semaphore(%arg19 : memref<!tpu.dma_semaphore, #tpu.memory_space<semaphore_mem>>)
    %mul3A_70 = arith.constant 640 : i32
    %mul3A_71 = arith.muli %arg1, %mul3A_70 : i32
    %add3A_72 = arith.constant 512 : i32
    %add3A_73 = arith.addi %mul3A_71, %add3A_72 : i32
    %dma_start3A_74 = arith.constant 0 : i32
    %dma_start3A_75 = tpu.memref_slice %arg12[%add3A_73, %dma_start3A_74] : memref<10240x128xf32, #tpu.memory_space<vmem_shared>> -> memref<64x128xf32, #tpu.memory_space<vmem_shared>>
    %dma_start3A_76 = arith.constant 0 : i32
    %dma_start3A_77 = tpu.memref_slice %arg12[%add3A_73, %dma_start3A_76] : memref<10240x128xf32, #tpu.memory_space<vmem_shared>> -> memref<64x128xf32, #tpu.memory_space<vmem_shared>>
    tpu.enqueue_dma source(%arg11 : memref<64x128xf32, #tpu.memory_space<vmem>>) target(%dma_start3A_77 : memref<64x128xf32, #tpu.memory_space<vmem_shared>>) target_semaphore(%arg19 : memref<!tpu.dma_semaphore, #tpu.memory_space<semaphore_mem>>)
    %mul3A_78 = arith.constant 640 : i32
    %mul3A_79 = arith.muli %arg1, %mul3A_78 : i32
    %add3A_80 = arith.constant 576 : i32
    %add3A_81 = arith.addi %mul3A_79, %add3A_80 : i32
    %dma_start3A_82 = arith.constant 0 : i32
    %dma_start3A_83 = tpu.memref_slice %arg12[%add3A_81, %dma_start3A_82] : memref<10240x128xf32, #tpu.memory_space<vmem_shared>> -> memref<64x128xf32, #tpu.memory_space<vmem_shared>>
    %dma_start3A_84 = arith.constant 0 : i32
    %dma_start3A_85 = tpu.memref_slice %arg12[%add3A_81, %dma_start3A_84] : memref<10240x128xf32, #tpu.memory_space<vmem_shared>> -> memref<64x128xf32, #tpu.memory_space<vmem_shared>>
    tpu.enqueue_dma source(%arg11 : memref<64x128xf32, #tpu.memory_space<vmem>>) target(%dma_start3A_85 : memref<64x128xf32, #tpu.memory_space<vmem_shared>>) target_semaphore(%arg19 : memref<!tpu.dma_semaphore, #tpu.memory_space<semaphore_mem>>)
    %mul3A_86 = arith.constant 640 : i32
    %mul3A_87 = arith.muli %arg1, %mul3A_86 : i32
    %add3A_88 = arith.constant 0 : i32
    %add3A_89 = arith.addi %mul3A_87, %add3A_88 : i32
    %dma_wait3A = arith.constant 0 : i32
    %dma_wait3A_90 = tpu.memref_slice %arg12[%add3A_89, %dma_wait3A] : memref<10240x128xf32, #tpu.memory_space<vmem_shared>> -> memref<64x128xf32, #tpu.memory_space<vmem_shared>>
    %dma_wait3A_91 = arith.constant 0 : i32
    %dma_wait3A_92 = tpu.memref_slice %arg12[%add3A_89, %dma_wait3A_91] : memref<10240x128xf32, #tpu.memory_space<vmem_shared>> -> memref<64x128xf32, #tpu.memory_space<vmem_shared>>
    tpu.wait_dma2 semaphore(%arg19 : memref<!tpu.dma_semaphore, #tpu.memory_space<semaphore_mem>>) src(%arg11 : memref<64x128xf32, #tpu.memory_space<vmem>>) dst(%dma_wait3A_92 : memref<64x128xf32, #tpu.memory_space<vmem_shared>>)
    %mul3A_93 = arith.constant 640 : i32
    %mul3A_94 = arith.muli %arg1, %mul3A_93 : i32
    %add3A_95 = arith.constant 64 : i32
    %add3A_96 = arith.addi %mul3A_94, %add3A_95 : i32
    %dma_wait3A_97 = arith.constant 0 : i32
    %dma_wait3A_98 = tpu.memref_slice %arg12[%add3A_96, %dma_wait3A_97] : memref<10240x128xf32, #tpu.memory_space<vmem_shared>> -> memref<64x128xf32, #tpu.memory_space<vmem_shared>>
    %dma_wait3A_99 = arith.constant 0 : i32
    %dma_wait3A_100 = tpu.memref_slice %arg12[%add3A_96, %dma_wait3A_99] : memref<10240x128xf32, #tpu.memory_space<vmem_shared>> -> memref<64x128xf32, #tpu.memory_space<vmem_shared>>
    tpu.wait_dma2 semaphore(%arg19 : memref<!tpu.dma_semaphore, #tpu.memory_space<semaphore_mem>>) src(%arg11 : memref<64x128xf32, #tpu.memory_space<vmem>>) dst(%dma_wait3A_100 : memref<64x128xf32, #tpu.memory_space<vmem_shared>>)
    %mul3A_101 = arith.constant 640 : i32
    %mul3A_102 = arith.muli %arg1, %mul3A_101 : i32
    %add3A_103 = arith.constant 128 : i32
    %add3A_104 = arith.addi %mul3A_102, %add3A_103 : i32
    %dma_wait3A_105 = arith.constant 0 : i32
    %dma_wait3A_106 = tpu.memref_slice %arg12[%add3A_104, %dma_wait3A_105] : memref<10240x128xf32, #tpu.memory_space<vmem_shared>> -> memref<64x128xf32, #tpu.memory_space<vmem_shared>>
    %dma_wait3A_107 = arith.constant 0 : i32
    %dma_wait3A_108 = tpu.memref_slice %arg12[%add3A_104, %dma_wait3A_107] : memref<10240x128xf32, #tpu.memory_space<vmem_shared>> -> memref<64x128xf32, #tpu.memory_space<vmem_shared>>
    tpu.wait_dma2 semaphore(%arg19 : memref<!tpu.dma_semaphore, #tpu.memory_space<semaphore_mem>>) src(%arg11 : memref<64x128xf32, #tpu.memory_space<vmem>>) dst(%dma_wait3A_108 : memref<64x128xf32, #tpu.memory_space<vmem_shared>>)
    %mul3A_109 = arith.constant 640 : i32
    %mul3A_110 = arith.muli %arg1, %mul3A_109 : i32
    %add3A_111 = arith.constant 192 : i32
    %add3A_112 = arith.addi %mul3A_110, %add3A_111 : i32
    %dma_wait3A_113 = arith.constant 0 : i32
    %dma_wait3A_114 = tpu.memref_slice %arg12[%add3A_112, %dma_wait3A_113] : memref<10240x128xf32, #tpu.memory_space<vmem_shared>> -> memref<64x128xf32, #tpu.memory_space<vmem_shared>>
    %dma_wait3A_115 = arith.constant 0 : i32
    %dma_wait3A_116 = tpu.memref_slice %arg12[%add3A_112, %dma_wait3A_115] : memref<10240x128xf32, #tpu.memory_space<vmem_shared>> -> memref<64x128xf32, #tpu.memory_space<vmem_shared>>
    tpu.wait_dma2 semaphore(%arg19 : memref<!tpu.dma_semaphore, #tpu.memory_space<semaphore_mem>>) src(%arg11 : memref<64x128xf32, #tpu.memory_space<vmem>>) dst(%dma_wait3A_116 : memref<64x128xf32, #tpu.memory_space<vmem_shared>>)
    %mul3A_117 = arith.constant 640 : i32
    %mul3A_118 = arith.muli %arg1, %mul3A_117 : i32
    %add3A_119 = arith.constant 256 : i32
    %add3A_120 = arith.addi %mul3A_118, %add3A_119 : i32
    %dma_wait3A_121 = arith.constant 0 : i32
    %dma_wait3A_122 = tpu.memref_slice %arg12[%add3A_120, %dma_wait3A_121] : memref<10240x128xf32, #tpu.memory_space<vmem_shared>> -> memref<64x128xf32, #tpu.memory_space<vmem_shared>>
    %dma_wait3A_123 = arith.constant 0 : i32
    %dma_wait3A_124 = tpu.memref_slice %arg12[%add3A_120, %dma_wait3A_123] : memref<10240x128xf32, #tpu.memory_space<vmem_shared>> -> memref<64x128xf32, #tpu.memory_space<vmem_shared>>
    tpu.wait_dma2 semaphore(%arg19 : memref<!tpu.dma_semaphore, #tpu.memory_space<semaphore_mem>>) src(%arg11 : memref<64x128xf32, #tpu.memory_space<vmem>>) dst(%dma_wait3A_124 : memref<64x128xf32, #tpu.memory_space<vmem_shared>>)
    %mul3A_125 = arith.constant 640 : i32
    %mul3A_126 = arith.muli %arg1, %mul3A_125 : i32
    %add3A_127 = arith.constant 320 : i32
    %add3A_128 = arith.addi %mul3A_126, %add3A_127 : i32
    %dma_wait3A_129 = arith.constant 0 : i32
    %dma_wait3A_130 = tpu.memref_slice %arg12[%add3A_128, %dma_wait3A_129] : memref<10240x128xf32, #tpu.memory_space<vmem_shared>> -> memref<64x128xf32, #tpu.memory_space<vmem_shared>>
    %dma_wait3A_131 = arith.constant 0 : i32
    %dma_wait3A_132 = tpu.memref_slice %arg12[%add3A_128, %dma_wait3A_131] : memref<10240x128xf32, #tpu.memory_space<vmem_shared>> -> memref<64x128xf32, #tpu.memory_space<vmem_shared>>
    tpu.wait_dma2 semaphore(%arg19 : memref<!tpu.dma_semaphore, #tpu.memory_space<semaphore_mem>>) src(%arg11 : memref<64x128xf32, #tpu.memory_space<vmem>>) dst(%dma_wait3A_132 : memref<64x128xf32, #tpu.memory_space<vmem_shared>>)
    %mul3A_133 = arith.constant 640 : i32
    %mul3A_134 = arith.muli %arg1, %mul3A_133 : i32
    %add3A_135 = arith.constant 384 : i32
    %add3A_136 = arith.addi %mul3A_134, %add3A_135 : i32
    %dma_wait3A_137 = arith.constant 0 : i32
    %dma_wait3A_138 = tpu.memref_slice %arg12[%add3A_136, %dma_wait3A_137] : memref<10240x128xf32, #tpu.memory_space<vmem_shared>> -> memref<64x128xf32, #tpu.memory_space<vmem_shared>>
    %dma_wait3A_139 = arith.constant 0 : i32
    %dma_wait3A_140 = tpu.memref_slice %arg12[%add3A_136, %dma_wait3A_139] : memref<10240x128xf32, #tpu.memory_space<vmem_shared>> -> memref<64x128xf32, #tpu.memory_space<vmem_shared>>
    tpu.wait_dma2 semaphore(%arg19 : memref<!tpu.dma_semaphore, #tpu.memory_space<semaphore_mem>>) src(%arg11 : memref<64x128xf32, #tpu.memory_space<vmem>>) dst(%dma_wait3A_140 : memref<64x128xf32, #tpu.memory_space<vmem_shared>>)
    %mul3A_141 = arith.constant 640 : i32
    %mul3A_142 = arith.muli %arg1, %mul3A_141 : i32
    %add3A_143 = arith.constant 448 : i32
    %add3A_144 = arith.addi %mul3A_142, %add3A_143 : i32
    %dma_wait3A_145 = arith.constant 0 : i32
    %dma_wait3A_146 = tpu.memref_slice %arg12[%add3A_144, %dma_wait3A_145] : memref<10240x128xf32, #tpu.memory_space<vmem_shared>> -> memref<64x128xf32, #tpu.memory_space<vmem_shared>>
    %dma_wait3A_147 = arith.constant 0 : i32
    %dma_wait3A_148 = tpu.memref_slice %arg12[%add3A_144, %dma_wait3A_147] : memref<10240x128xf32, #tpu.memory_space<vmem_shared>> -> memref<64x128xf32, #tpu.memory_space<vmem_shared>>
    tpu.wait_dma2 semaphore(%arg19 : memref<!tpu.dma_semaphore, #tpu.memory_space<semaphore_mem>>) src(%arg11 : memref<64x128xf32, #tpu.memory_space<vmem>>) dst(%dma_wait3A_148 : memref<64x128xf32, #tpu.memory_space<vmem_shared>>)
    %mul3A_149 = arith.constant 640 : i32
    %mul3A_150 = arith.muli %arg1, %mul3A_149 : i32
    %add3A_151 = arith.constant 512 : i32
    %add3A_152 = arith.addi %mul3A_150, %add3A_151 : i32
    %dma_wait3A_153 = arith.constant 0 : i32
    %dma_wait3A_154 = tpu.memref_slice %arg12[%add3A_152, %dma_wait3A_153] : memref<10240x128xf32, #tpu.memory_space<vmem_shared>> -> memref<64x128xf32, #tpu.memory_space<vmem_shared>>
    %dma_wait3A_155 = arith.constant 0 : i32
    %dma_wait3A_156 = tpu.memref_slice %arg12[%add3A_152, %dma_wait3A_155] : memref<10240x128xf32, #tpu.memory_space<vmem_shared>> -> memref<64x128xf32, #tpu.memory_space<vmem_shared>>
    tpu.wait_dma2 semaphore(%arg19 : memref<!tpu.dma_semaphore, #tpu.memory_space<semaphore_mem>>) src(%arg11 : memref<64x128xf32, #tpu.memory_space<vmem>>) dst(%dma_wait3A_156 : memref<64x128xf32, #tpu.memory_space<vmem_shared>>)
    %mul3A_157 = arith.constant 640 : i32
    %mul3A_158 = arith.muli %arg1, %mul3A_157 : i32
    %add3A_159 = arith.constant 576 : i32
    %add3A_160 = arith.addi %mul3A_158, %add3A_159 : i32
    %dma_wait3A_161 = arith.constant 0 : i32
    %dma_wait3A_162 = tpu.memref_slice %arg12[%add3A_160, %dma_wait3A_161] : memref<10240x128xf32, #tpu.memory_space<vmem_shared>> -> memref<64x128xf32, #tpu.memory_space<vmem_shared>>
    %dma_wait3A_163 = arith.constant 0 : i32
    %dma_wait3A_164 = tpu.memref_slice %arg12[%add3A_160, %dma_wait3A_163] : memref<10240x128xf32, #tpu.memory_space<vmem_shared>> -> memref<64x128xf32, #tpu.memory_space<vmem_shared>>
    tpu.wait_dma2 semaphore(%arg19 : memref<!tpu.dma_semaphore, #tpu.memory_space<semaphore_mem>>) src(%arg11 : memref<64x128xf32, #tpu.memory_space<vmem>>) dst(%dma_wait3A_164 : memref<64x128xf32, #tpu.memory_space<vmem_shared>>)
    %barrier3A = arith.constant 0 : index
    tpu.barrier barrier_id(%barrier3A)
    %mul3A_165 = arith.constant 0 : i32
    %mul3A_166 = arith.constant 32 : i32
    %mul3A_167 = arith.muli %mul3A_165, %mul3A_166 : i32
    %add3A_168 = arith.addi %mul3A_167, %add3A : i32
    %dma_start3A_169 = arith.constant 0 : i32
    %dma_start3A_170 = arith.constant 0 : i32
    %dma_start3A_171 = tpu.memref_slice %arg3[%add3A_168, %dma_start3A_169, %dma_start3A_170] : memref<5056x2x128xi32, #tpu.memory_space<hbm>> -> memref<1x2x128xi32, #tpu.memory_space<hbm>>
    %dma_start3A_172 = tpu.memref_squeeze %dma_start3A_171 : memref<1x2x128xi32, #tpu.memory_space<hbm>> -> memref<2x128xi32, #tpu.memory_space<hbm>>
    %dma_start3A_173 = arith.constant 0 : i32
    %dma_start3A_174 = arith.constant 0 : i32
    %dma_start3A_175 = tpu.memref_slice %arg3[%add3A_168, %dma_start3A_173, %dma_start3A_174] : memref<5056x2x128xi32, #tpu.memory_space<hbm>> -> memref<1x2x128xi32, #tpu.memory_space<hbm>>
    %dma_start3A_176 = tpu.memref_squeeze %dma_start3A_175 : memref<1x2x128xi32, #tpu.memory_space<hbm>> -> memref<2x128xi32, #tpu.memory_space<hbm>>
    tpu.enqueue_dma source(%dma_start3A_176 : memref<2x128xi32, #tpu.memory_space<hbm>>) target(%arg5 : memref<2x128xi32, #tpu.memory_space<vmem>>) target_semaphore(%arg13 : memref<!tpu.dma_semaphore, #tpu.memory_space<semaphore_mem>>)
    %mul3A_177 = arith.constant 0 : i32
    %mul3A_178 = arith.constant 32 : i32
    %mul3A_179 = arith.muli %mul3A_177, %mul3A_178 : i32
    %add3A_180 = arith.addi %mul3A_179, %add3A : i32
    %dma_wait3A_181 = arith.constant 0 : i32
    %dma_wait3A_182 = arith.constant 0 : i32
    %dma_wait3A_183 = tpu.memref_slice %arg3[%add3A_180, %dma_wait3A_181, %dma_wait3A_182] : memref<5056x2x128xi32, #tpu.memory_space<hbm>> -> memref<1x2x128xi32, #tpu.memory_space<hbm>>
    %dma_wait3A_184 = tpu.memref_squeeze %dma_wait3A_183 : memref<1x2x128xi32, #tpu.memory_space<hbm>> -> memref<2x128xi32, #tpu.memory_space<hbm>>
    %dma_wait3A_185 = arith.constant 0 : i32
    %dma_wait3A_186 = arith.constant 0 : i32
    %dma_wait3A_187 = tpu.memref_slice %arg3[%add3A_180, %dma_wait3A_185, %dma_wait3A_186] : memref<5056x2x128xi32, #tpu.memory_space<hbm>> -> memref<1x2x128xi32, #tpu.memory_space<hbm>>
    %dma_wait3A_188 = tpu.memref_squeeze %dma_wait3A_187 : memref<1x2x128xi32, #tpu.memory_space<hbm>> -> memref<2x128xi32, #tpu.memory_space<hbm>>
    tpu.wait_dma2 semaphore(%arg13 : memref<!tpu.dma_semaphore, #tpu.memory_space<semaphore_mem>>) src(%dma_wait3A_188 : memref<2x128xi32, #tpu.memory_space<hbm>>) dst(%arg5 : memref<2x128xi32, #tpu.memory_space<vmem>>)
    %dma_start3A_189 = arith.constant 0 : i32
    %dma_start3A_190 = arith.constant 0 : i32
    %dma_start3A_191 = tpu.memref_slice %arg5[%dma_start3A_189, %dma_start3A_190] : memref<2x128xi32, #tpu.memory_space<vmem>> -> memref<1x128xi32, #tpu.memory_space<vmem>>
    %dma_start3A_192 = tpu.memref_squeeze %dma_start3A_191 : memref<1x128xi32, #tpu.memory_space<vmem>> -> memref<128xi32, #tpu.memory_space<vmem>>
    %dma_start3A_193 = arith.constant 0 : i32
    %dma_start3A_194 = arith.constant 0 : i32
    %dma_start3A_195 = tpu.memref_slice %arg2[%dma_start3A_193, %dma_start3A_194] : memref<10000x128xf32, #tpu.memory_space<hbm>> -> memref<10000x128xf32, #tpu.memory_space<hbm>>
    tpu.enqueue_indirect_dma source(%dma_start3A_195 : memref<10000x128xf32, #tpu.memory_space<hbm>>) target(%arg9 : memref<128x128xf32, #tpu.memory_space<vmem>>) offsets(%dma_start3A_192 : memref<128xi32, #tpu.memory_space<vmem>>) semaphore(%arg15 : memref<!tpu.dma_semaphore, #tpu.memory_space<semaphore_mem>>)
    %mul3A_196 = arith.constant 1 : i32
    %mul3A_197 = arith.constant 32 : i32
    %mul3A_198 = arith.muli %mul3A_196, %mul3A_197 : i32
    %add3A_199 = arith.addi %mul3A_198, %add3A : i32
    %dma_start3A_200 = arith.constant 0 : i32
    %dma_start3A_201 = arith.constant 0 : i32
    %dma_start3A_202 = tpu.memref_slice %arg3[%add3A_199, %dma_start3A_200, %dma_start3A_201] : memref<5056x2x128xi32, #tpu.memory_space<hbm>> -> memref<1x2x128xi32, #tpu.memory_space<hbm>>
    %dma_start3A_203 = tpu.memref_squeeze %dma_start3A_202 : memref<1x2x128xi32, #tpu.memory_space<hbm>> -> memref<2x128xi32, #tpu.memory_space<hbm>>
    %dma_start3A_204 = arith.constant 0 : i32
    %dma_start3A_205 = arith.constant 0 : i32
    %dma_start3A_206 = tpu.memref_slice %arg3[%add3A_199, %dma_start3A_204, %dma_start3A_205] : memref<5056x2x128xi32, #tpu.memory_space<hbm>> -> memref<1x2x128xi32, #tpu.memory_space<hbm>>
    %dma_start3A_207 = tpu.memref_squeeze %dma_start3A_206 : memref<1x2x128xi32, #tpu.memory_space<hbm>> -> memref<2x128xi32, #tpu.memory_space<hbm>>
    tpu.enqueue_dma source(%dma_start3A_207 : memref<2x128xi32, #tpu.memory_space<hbm>>) target(%arg6 : memref<2x128xi32, #tpu.memory_space<vmem>>) target_semaphore(%arg14 : memref<!tpu.dma_semaphore, #tpu.memory_space<semaphore_mem>>)
    %add3A_208 = arith.constant 0 : i32
    %add3A_209 = arith.constant 1 : i32
    %add3A_210 = arith.addi %add3A_208, %add3A_209 : i32
    %mul3A_211 = arith.constant 32 : i32
    %mul3A_212 = arith.muli %add3A_210, %mul3A_211 : i32
    %add3A_213 = arith.addi %mul3A_212, %add3A : i32
    %dma_wait3A_214 = arith.constant 0 : i32
    %dma_wait3A_215 = arith.constant 0 : i32
    %dma_wait3A_216 = tpu.memref_slice %arg3[%add3A_213, %dma_wait3A_214, %dma_wait3A_215] : memref<5056x2x128xi32, #tpu.memory_space<hbm>> -> memref<1x2x128xi32, #tpu.memory_space<hbm>>
    %dma_wait3A_217 = tpu.memref_squeeze %dma_wait3A_216 : memref<1x2x128xi32, #tpu.memory_space<hbm>> -> memref<2x128xi32, #tpu.memory_space<hbm>>
    %dma_wait3A_218 = arith.constant 0 : i32
    %dma_wait3A_219 = arith.constant 0 : i32
    %dma_wait3A_220 = tpu.memref_slice %arg3[%add3A_213, %dma_wait3A_218, %dma_wait3A_219] : memref<5056x2x128xi32, #tpu.memory_space<hbm>> -> memref<1x2x128xi32, #tpu.memory_space<hbm>>
    %dma_wait3A_221 = tpu.memref_squeeze %dma_wait3A_220 : memref<1x2x128xi32, #tpu.memory_space<hbm>> -> memref<2x128xi32, #tpu.memory_space<hbm>>
    tpu.wait_dma2 semaphore(%arg14 : memref<!tpu.dma_semaphore, #tpu.memory_space<semaphore_mem>>) src(%dma_wait3A_221 : memref<2x128xi32, #tpu.memory_space<hbm>>) dst(%arg6 : memref<2x128xi32, #tpu.memory_space<vmem>>)
    %dma_start3A_222 = arith.constant 0 : i32
    %dma_start3A_223 = arith.constant 0 : i32
    %dma_start3A_224 = tpu.memref_slice %arg6[%dma_start3A_222, %dma_start3A_223] : memref<2x128xi32, #tpu.memory_space<vmem>> -> memref<1x128xi32, #tpu.memory_space<vmem>>
    %dma_start3A_225 = tpu.memref_squeeze %dma_start3A_224 : memref<1x128xi32, #tpu.memory_space<vmem>> -> memref<128xi32, #tpu.memory_space<vmem>>
    %dma_start3A_226 = arith.constant 0 : i32
    %dma_start3A_227 = arith.constant 0 : i32
    %dma_start3A_228 = tpu.memref_slice %arg2[%dma_start3A_226, %dma_start3A_227] : memref<10000x128xf32, #tpu.memory_space<hbm>> -> memref<10000x128xf32, #tpu.memory_space<hbm>>
    tpu.enqueue_indirect_dma source(%dma_start3A_228 : memref<10000x128xf32, #tpu.memory_space<hbm>>) target(%arg10 : memref<128x128xf32, #tpu.memory_space<vmem>>) offsets(%dma_start3A_225 : memref<128xi32, #tpu.memory_space<vmem>>) semaphore(%arg16 : memref<!tpu.dma_semaphore, #tpu.memory_space<semaphore_mem>>)
    %dma_wait3A_229 = arith.constant 0 : i32
    %dma_wait3A_230 = arith.constant 0 : i32
    %dma_wait3A_231 = tpu.memref_slice %arg5[%dma_wait3A_229, %dma_wait3A_230] : memref<2x128xi32, #tpu.memory_space<vmem>> -> memref<1x128xi32, #tpu.memory_space<vmem>>
    %dma_wait3A_232 = tpu.memref_squeeze %dma_wait3A_231 : memref<1x128xi32, #tpu.memory_space<vmem>> -> memref<128xi32, #tpu.memory_space<vmem>>
    %dma_wait3A_233 = arith.constant 0 : i32
    %dma_wait3A_234 = arith.constant 0 : i32
    %dma_wait3A_235 = tpu.memref_slice %arg2[%dma_wait3A_233, %dma_wait3A_234] : memref<10000x128xf32, #tpu.memory_space<hbm>> -> memref<10000x128xf32, #tpu.memory_space<hbm>>
    tpu.wait_indirect_dma semaphore(%arg15 : memref<!tpu.dma_semaphore, #tpu.memory_space<semaphore_mem>>) src(%dma_wait3A_235 : memref<10000x128xf32, #tpu.memory_space<hbm>>) dst(%arg9 : memref<128x128xf32, #tpu.memory_space<vmem>>)
    %get3A = arith.constant 1 : i32
    %get3A_236 = arith.index_cast %get3A : i32 to index
    %get3A_237 = arith.constant 0 : index
    %get3A_238 = tpu.vector_load %arg5[%get3A_236, %get3A_237] {strides = array<i32>} : memref<2x128xi32, #tpu.memory_space<vmem>>, vector<16xi32>,
    %swap3A = arith.constant 0 : index
    %swap3A_239 = tpu.vector_load %arg7[%swap3A] {strides = array<i32>} : memref<128xi32, #tpu.memory_space<vmem>>, vector<16xi32>,
    tpu.vector_store %arg7[%swap3A], %get3A_238 {strides = array<i32>} : memref<128xi32, #tpu.memory_space<vmem>>, vector<16xi32>,
    %get3A_240 = arith.constant 1 : i32
    %get3A_241 = arith.index_cast %get3A_240 : i32 to index
    %get3A_242 = arith.constant 16 : index
    %get3A_243 = tpu.vector_load %arg5[%get3A_241, %get3A_242] {strides = array<i32>} : memref<2x128xi32, #tpu.memory_space<vmem>>, vector<16xi32>,
    %swap3A_244 = arith.constant 16 : index
    %swap3A_245 = tpu.vector_load %arg7[%swap3A_244] {strides = array<i32>} : memref<128xi32, #tpu.memory_space<vmem>>, vector<16xi32>,
    tpu.vector_store %arg7[%swap3A_244], %get3A_243 {strides = array<i32>} : memref<128xi32, #tpu.memory_space<vmem>>, vector<16xi32>,
    %get3A_246 = arith.constant 1 : i32
    %get3A_247 = arith.index_cast %get3A_246 : i32 to index
    %get3A_248 = arith.constant 32 : index
    %get3A_249 = tpu.vector_load %arg5[%get3A_247, %get3A_248] {strides = array<i32>} : memref<2x128xi32, #tpu.memory_space<vmem>>, vector<16xi32>,
    %swap3A_250 = arith.constant 32 : index
    %swap3A_251 = tpu.vector_load %arg7[%swap3A_250] {strides = array<i32>} : memref<128xi32, #tpu.memory_space<vmem>>, vector<16xi32>,
    tpu.vector_store %arg7[%swap3A_250], %get3A_249 {strides = array<i32>} : memref<128xi32, #tpu.memory_space<vmem>>, vector<16xi32>,
    %get3A_252 = arith.constant 1 : i32
    %get3A_253 = arith.index_cast %get3A_252 : i32 to index
    %get3A_254 = arith.constant 48 : index
    %get3A_255 = tpu.vector_load %arg5[%get3A_253, %get3A_254] {strides = array<i32>} : memref<2x128xi32, #tpu.memory_space<vmem>>, vector<16xi32>,
    %swap3A_256 = arith.constant 48 : index
    %swap3A_257 = tpu.vector_load %arg7[%swap3A_256] {strides = array<i32>} : memref<128xi32, #tpu.memory_space<vmem>>, vector<16xi32>,
    tpu.vector_store %arg7[%swap3A_256], %get3A_255 {strides = array<i32>} : memref<128xi32, #tpu.memory_space<vmem>>, vector<16xi32>,
    %get3A_258 = arith.constant 1 : i32
    %get3A_259 = arith.index_cast %get3A_258 : i32 to index
    %get3A_260 = arith.constant 64 : index
    %get3A_261 = tpu.vector_load %arg5[%get3A_259, %get3A_260] {strides = array<i32>} : memref<2x128xi32, #tpu.memory_space<vmem>>, vector<16xi32>,
    %swap3A_262 = arith.constant 64 : index
    %swap3A_263 = tpu.vector_load %arg7[%swap3A_262] {strides = array<i32>} : memref<128xi32, #tpu.memory_space<vmem>>, vector<16xi32>,
    tpu.vector_store %arg7[%swap3A_262], %get3A_261 {strides = array<i32>} : memref<128xi32, #tpu.memory_space<vmem>>, vector<16xi32>,
    %get3A_264 = arith.constant 1 : i32
    %get3A_265 = arith.index_cast %get3A_264 : i32 to index
    %get3A_266 = arith.constant 80 : index
    %get3A_267 = tpu.vector_load %arg5[%get3A_265, %get3A_266] {strides = array<i32>} : memref<2x128xi32, #tpu.memory_space<vmem>>, vector<16xi32>,
    %swap3A_268 = arith.constant 80 : index
    %swap3A_269 = tpu.vector_load %arg7[%swap3A_268] {strides = array<i32>} : memref<128xi32, #tpu.memory_space<vmem>>, vector<16xi32>,
    tpu.vector_store %arg7[%swap3A_268], %get3A_267 {strides = array<i32>} : memref<128xi32, #tpu.memory_space<vmem>>, vector<16xi32>,
    %get3A_270 = arith.constant 1 : i32
    %get3A_271 = arith.index_cast %get3A_270 : i32 to index
    %get3A_272 = arith.constant 96 : index
    %get3A_273 = tpu.vector_load %arg5[%get3A_271, %get3A_272] {strides = array<i32>} : memref<2x128xi32, #tpu.memory_space<vmem>>, vector<16xi32>,
    %swap3A_274 = arith.constant 96 : index
    %swap3A_275 = tpu.vector_load %arg7[%swap3A_274] {strides = array<i32>} : memref<128xi32, #tpu.memory_space<vmem>>, vector<16xi32>,
    tpu.vector_store %arg7[%swap3A_274], %get3A_273 {strides = array<i32>} : memref<128xi32, #tpu.memory_space<vmem>>, vector<16xi32>,
    %get3A_276 = arith.constant 1 : i32
    %get3A_277 = arith.index_cast %get3A_276 : i32 to index
    %get3A_278 = arith.constant 112 : index
    %get3A_279 = tpu.vector_load %arg5[%get3A_277, %get3A_278] {strides = array<i32>} : memref<2x128xi32, #tpu.memory_space<vmem>>, vector<16xi32>,
    %swap3A_280 = arith.constant 112 : index
    %swap3A_281 = tpu.vector_load %arg7[%swap3A_280] {strides = array<i32>} : memref<128xi32, #tpu.memory_space<vmem>>, vector<16xi32>,
    tpu.vector_store %arg7[%swap3A_280], %get3A_279 {strides = array<i32>} : memref<128xi32, #tpu.memory_space<vmem>>, vector<16xi32>,
    %dma_start3A_282 = arith.constant 0 : i32
    %dma_start3A_283 = arith.constant 0 : i32
    %dma_start3A_284 = tpu.memref_slice %arg12[%dma_start3A_282, %dma_start3A_283] : memref<10240x128xf32, #tpu.memory_space<vmem_shared>> -> memref<10240x128xf32, #tpu.memory_space<vmem_shared>>
    tpu.enqueue_indirect_dma source(%arg9 : memref<128x128xf32, #tpu.memory_space<vmem>>) target(%dma_start3A_284 : memref<10240x128xf32, #tpu.memory_space<vmem_shared>>) offsets(%arg7 : memref<128xi32, #tpu.memory_space<vmem>>) semaphore(%arg17 : memref<!tpu.dma_semaphore, #tpu.memory_space<semaphore_mem>>) {add = true}
    %add3A_285 = arith.constant 0 : i32
    %add3A_286 = arith.constant 2 : i32
    %add3A_287 = arith.addi %add3A_285, %add3A_286 : i32
    %mul3A_288 = arith.constant 32 : i32
    %mul3A_289 = arith.muli %add3A_287, %mul3A_288 : i32
    %add3A_290 = arith.addi %mul3A_289, %add3A : i32
    %dma_start3A_291 = arith.constant 0 : i32
    %dma_start3A_292 = arith.constant 0 : i32
    %dma_start3A_293 = tpu.memref_slice %arg3[%add3A_290, %dma_start3A_291, %dma_start3A_292] : memref<5056x2x128xi32, #tpu.memory_space<hbm>> -> memref<1x2x128xi32, #tpu.memory_space<hbm>>
    %dma_start3A_294 = tpu.memref_squeeze %dma_start3A_293 : memref<1x2x128xi32, #tpu.memory_space<hbm>> -> memref<2x128xi32, #tpu.memory_space<hbm>>
    %dma_start3A_295 = arith.constant 0 : i32
    %dma_start3A_296 = arith.constant 0 : i32
    %dma_start3A_297 = tpu.memref_slice %arg3[%add3A_290, %dma_start3A_295, %dma_start3A_296] : memref<5056x2x128xi32, #tpu.memory_space<hbm>> -> memref<1x2x128xi32, #tpu.memory_space<hbm>>
    %dma_start3A_298 = tpu.memref_squeeze %dma_start3A_297 : memref<1x2x128xi32, #tpu.memory_space<hbm>> -> memref<2x128xi32, #tpu.memory_space<hbm>>
    tpu.enqueue_dma source(%dma_start3A_298 : memref<2x128xi32, #tpu.memory_space<hbm>>) target(%arg5 : memref<2x128xi32, #tpu.memory_space<vmem>>) target_semaphore(%arg13 : memref<!tpu.dma_semaphore, #tpu.memory_space<semaphore_mem>>)
    %scan3A_299 = arith.constant 0 : i32
    %scan3A_300 = arith.constant 0 : i32
    %scan3A_301 = arith.constant 77 : i32
    %scan3A_302 = arith.addi %scan3A_300, %scan3A_301 : i32
    %scan3A_303 = arith.constant 1 : i32
    scf.for %scan3A_728 = %scan3A_300 to %scan3A_302 step %scan3A_303  : i32 {
      %mul3A_729 = arith.constant 2 : i32
      %mul3A_730 = arith.muli %mul3A_729, %scan3A_728 : i32
      %add3A_731 = arith.constant 1 : i32
      %add3A_732 = arith.addi %mul3A_730, %add3A_731 : i32
      %add3A_733 = arith.constant 1 : i32
      %add3A_734 = arith.addi %add3A_732, %add3A_733 : i32
      %mul3A_735 = arith.constant 32 : i32
      %mul3A_736 = arith.muli %add3A_734, %mul3A_735 : i32
      %add3A_737 = arith.addi %mul3A_736, %add3A : i32
      %dma_wait3A_738 = arith.constant 0 : i32
      %dma_wait3A_739 = arith.constant 0 : i32
      %dma_wait3A_740 = tpu.memref_slice %arg3[%add3A_737, %dma_wait3A_738, %dma_wait3A_739] : memref<5056x2x128xi32, #tpu.memory_space<hbm>> -> memref<1x2x128xi32, #tpu.memory_space<hbm>>
      %dma_wait3A_741 = tpu.memref_squeeze %dma_wait3A_740 : memref<1x2x128xi32, #tpu.memory_space<hbm>> -> memref<2x128xi32, #tpu.memory_space<hbm>>
      %dma_wait3A_742 = arith.constant 0 : i32
      %dma_wait3A_743 = arith.constant 0 : i32
      %dma_wait3A_744 = tpu.memref_slice %arg3[%add3A_737, %dma_wait3A_742, %dma_wait3A_743] : memref<5056x2x128xi32, #tpu.memory_space<hbm>> -> memref<1x2x128xi32, #tpu.memory_space<hbm>>
      %dma_wait3A_745 = tpu.memref_squeeze %dma_wait3A_744 : memref<1x2x128xi32, #tpu.memory_space<hbm>> -> memref<2x128xi32, #tpu.memory_space<hbm>>
      tpu.wait_dma2 semaphore(%arg13 : memref<!tpu.dma_semaphore, #tpu.memory_space<semaphore_mem>>) src(%dma_wait3A_745 : memref<2x128xi32, #tpu.memory_space<hbm>>) dst(%arg5 : memref<2x128xi32, #tpu.memory_space<vmem>>)
      %dma_wait3A_746 = arith.constant 0 : i32
      %dma_wait3A_747 = arith.constant 0 : i32
      %dma_wait3A_748 = tpu.memref_slice %arg12[%dma_wait3A_746, %dma_wait3A_747] : memref<10240x128xf32, #tpu.memory_space<vmem_shared>> -> memref<10240x128xf32, #tpu.memory_space<vmem_shared>>
      tpu.wait_indirect_dma semaphore(%arg17 : memref<!tpu.dma_semaphore, #tpu.memory_space<semaphore_mem>>) src(%arg9 : memref<128x128xf32, #tpu.memory_space<vmem>>) dst(%dma_wait3A_748 : memref<10240x128xf32, #tpu.memory_space<vmem_shared>>)
      %dma_start3A_749 = arith.constant 0 : i32
      %dma_start3A_750 = arith.constant 0 : i32
      %dma_start3A_751 = tpu.memref_slice %arg5[%dma_start3A_749, %dma_start3A_750] : memref<2x128xi32, #tpu.memory_space<vmem>> -> memref<1x128xi32, #tpu.memory_space<vmem>>
      %dma_start3A_752 = tpu.memref_squeeze %dma_start3A_751 : memref<1x128xi32, #tpu.memory_space<vmem>> -> memref<128xi32, #tpu.memory_space<vmem>>
      %dma_start3A_753 = arith.constant 0 : i32
      %dma_start3A_754 = arith.constant 0 : i32
      %dma_start3A_755 = tpu.memref_slice %arg2[%dma_start3A_753, %dma_start3A_754] : memref<10000x128xf32, #tpu.memory_space<hbm>> -> memref<10000x128xf32, #tpu.memory_space<hbm>>
      tpu.enqueue_indirect_dma source(%dma_start3A_755 : memref<10000x128xf32, #tpu.memory_space<hbm>>) target(%arg9 : memref<128x128xf32, #tpu.memory_space<vmem>>) offsets(%dma_start3A_752 : memref<128xi32, #tpu.memory_space<vmem>>) semaphore(%arg15 : memref<!tpu.dma_semaphore, #tpu.memory_space<semaphore_mem>>)
      %dma_wait3A_756 = arith.constant 0 : i32
      %dma_wait3A_757 = arith.constant 0 : i32
      %dma_wait3A_758 = tpu.memref_slice %arg6[%dma_wait3A_756, %dma_wait3A_757] : memref<2x128xi32, #tpu.memory_space<vmem>> -> memref<1x128xi32, #tpu.memory_space<vmem>>
      %dma_wait3A_759 = tpu.memref_squeeze %dma_wait3A_758 : memref<1x128xi32, #tpu.memory_space<vmem>> -> memref<128xi32, #tpu.memory_space<vmem>>
      %dma_wait3A_760 = arith.constant 0 : i32
      %dma_wait3A_761 = arith.constant 0 : i32
      %dma_wait3A_762 = tpu.memref_slice %arg2[%dma_wait3A_760, %dma_wait3A_761] : memref<10000x128xf32, #tpu.memory_space<hbm>> -> memref<10000x128xf32, #tpu.memory_space<hbm>>
      tpu.wait_indirect_dma semaphore(%arg16 : memref<!tpu.dma_semaphore, #tpu.memory_space<semaphore_mem>>) src(%dma_wait3A_762 : memref<10000x128xf32, #tpu.memory_space<hbm>>) dst(%arg10 : memref<128x128xf32, #tpu.memory_space<vmem>>)
      %get3A_763 = arith.constant 1 : i32
      %get3A_764 = arith.index_cast %get3A_763 : i32 to index
      %get3A_765 = arith.constant 0 : index
      %get3A_766 = tpu.vector_load %arg6[%get3A_764, %get3A_765] {strides = array<i32>} : memref<2x128xi32, #tpu.memory_space<vmem>>, vector<16xi32>,
      %swap3A_767 = arith.constant 0 : index
      %swap3A_768 = tpu.vector_load %arg8[%swap3A_767] {strides = array<i32>} : memref<128xi32, #tpu.memory_space<vmem>>, vector<16xi32>,
      tpu.vector_store %arg8[%swap3A_767], %get3A_766 {strides = array<i32>} : memref<128xi32, #tpu.memory_space<vmem>>, vector<16xi32>,
      %get3A_769 = arith.constant 1 : i32
      %get3A_770 = arith.index_cast %get3A_769 : i32 to index
      %get3A_771 = arith.constant 16 : index
      %get3A_772 = tpu.vector_load %arg6[%get3A_770, %get3A_771] {strides = array<i32>} : memref<2x128xi32, #tpu.memory_space<vmem>>, vector<16xi32>,
      %swap3A_773 = arith.constant 16 : index
      %swap3A_774 = tpu.vector_load %arg8[%swap3A_773] {strides = array<i32>} : memref<128xi32, #tpu.memory_space<vmem>>, vector<16xi32>,
      tpu.vector_store %arg8[%swap3A_773], %get3A_772 {strides = array<i32>} : memref<128xi32, #tpu.memory_space<vmem>>, vector<16xi32>,
      %get3A_775 = arith.constant 1 : i32
      %get3A_776 = arith.index_cast %get3A_775 : i32 to index
      %get3A_777 = arith.constant 32 : index
      %get3A_778 = tpu.vector_load %arg6[%get3A_776, %get3A_777] {strides = array<i32>} : memref<2x128xi32, #tpu.memory_space<vmem>>, vector<16xi32>,
      %swap3A_779 = arith.constant 32 : index
      %swap3A_780 = tpu.vector_load %arg8[%swap3A_779] {strides = array<i32>} : memref<128xi32, #tpu.memory_space<vmem>>, vector<16xi32>,
      tpu.vector_store %arg8[%swap3A_779], %get3A_778 {strides = array<i32>} : memref<128xi32, #tpu.memory_space<vmem>>, vector<16xi32>,
      %get3A_781 = arith.constant 1 : i32
      %get3A_782 = arith.index_cast %get3A_781 : i32 to index
      %get3A_783 = arith.constant 48 : index
      %get3A_784 = tpu.vector_load %arg6[%get3A_782, %get3A_783] {strides = array<i32>} : memref<2x128xi32, #tpu.memory_space<vmem>>, vector<16xi32>,
      %swap3A_785 = arith.constant 48 : index
      %swap3A_786 = tpu.vector_load %arg8[%swap3A_785] {strides = array<i32>} : memref<128xi32, #tpu.memory_space<vmem>>, vector<16xi32>,
      tpu.vector_store %arg8[%swap3A_785], %get3A_784 {strides = array<i32>} : memref<128xi32, #tpu.memory_space<vmem>>, vector<16xi32>,
      %get3A_787 = arith.constant 1 : i32
      %get3A_788 = arith.index_cast %get3A_787 : i32 to index
      %get3A_789 = arith.constant 64 : index
      %get3A_790 = tpu.vector_load %arg6[%get3A_788, %get3A_789] {strides = array<i32>} : memref<2x128xi32, #tpu.memory_space<vmem>>, vector<16xi32>,
      %swap3A_791 = arith.constant 64 : index
      %swap3A_792 = tpu.vector_load %arg8[%swap3A_791] {strides = array<i32>} : memref<128xi32, #tpu.memory_space<vmem>>, vector<16xi32>,
      tpu.vector_store %arg8[%swap3A_791], %get3A_790 {strides = array<i32>} : memref<128xi32, #tpu.memory_space<vmem>>, vector<16xi32>,
      %get3A_793 = arith.constant 1 : i32
      %get3A_794 = arith.index_cast %get3A_793 : i32 to index
      %get3A_795 = arith.constant 80 : index
      %get3A_796 = tpu.vector_load %arg6[%get3A_794, %get3A_795] {strides = array<i32>} : memref<2x128xi32, #tpu.memory_space<vmem>>, vector<16xi32>,
      %swap3A_797 = arith.constant 80 : index
      %swap3A_798 = tpu.vector_load %arg8[%swap3A_797] {strides = array<i32>} : memref<128xi32, #tpu.memory_space<vmem>>, vector<16xi32>,
      tpu.vector_store %arg8[%swap3A_797], %get3A_796 {strides = array<i32>} : memref<128xi32, #tpu.memory_space<vmem>>, vector<16xi32>,
      %get3A_799 = arith.constant 1 : i32
      %get3A_800 = arith.index_cast %get3A_799 : i32 to index
      %get3A_801 = arith.constant 96 : index
      %get3A_802 = tpu.vector_load %arg6[%get3A_800, %get3A_801] {strides = array<i32>} : memref<2x128xi32, #tpu.memory_space<vmem>>, vector<16xi32>,
      %swap3A_803 = arith.constant 96 : index
      %swap3A_804 = tpu.vector_load %arg8[%swap3A_803] {strides = array<i32>} : memref<128xi32, #tpu.memory_space<vmem>>, vector<16xi32>,
      tpu.vector_store %arg8[%swap3A_803], %get3A_802 {strides = array<i32>} : memref<128xi32, #tpu.memory_space<vmem>>, vector<16xi32>,
      %get3A_805 = arith.constant 1 : i32
      %get3A_806 = arith.index_cast %get3A_805 : i32 to index
      %get3A_807 = arith.constant 112 : index
      %get3A_808 = tpu.vector_load %arg6[%get3A_806, %get3A_807] {strides = array<i32>} : memref<2x128xi32, #tpu.memory_space<vmem>>, vector<16xi32>,
      %swap3A_809 = arith.constant 112 : index
      %swap3A_810 = tpu.vector_load %arg8[%swap3A_809] {strides = array<i32>} : memref<128xi32, #tpu.memory_space<vmem>>, vector<16xi32>,
      tpu.vector_store %arg8[%swap3A_809], %get3A_808 {strides = array<i32>} : memref<128xi32, #tpu.memory_space<vmem>>, vector<16xi32>,
      %dma_start3A_811 = arith.constant 0 : i32
      %dma_start3A_812 = arith.constant 0 : i32
      %dma_start3A_813 = tpu.memref_slice %arg12[%dma_start3A_811, %dma_start3A_812] : memref<10240x128xf32, #tpu.memory_space<vmem_shared>> -> memref<10240x128xf32, #tpu.memory_space<vmem_shared>>
      tpu.enqueue_indirect_dma source(%arg10 : memref<128x128xf32, #tpu.memory_space<vmem>>) target(%dma_start3A_813 : memref<10240x128xf32, #tpu.memory_space<vmem_shared>>) offsets(%arg8 : memref<128xi32, #tpu.memory_space<vmem>>) semaphore(%arg18 : memref<!tpu.dma_semaphore, #tpu.memory_space<semaphore_mem>>) {add = true}
      %add3A_814 = arith.constant 2 : i32
      %add3A_815 = arith.addi %add3A_732, %add3A_814 : i32
      %mul3A_816 = arith.constant 32 : i32
      %mul3A_817 = arith.muli %add3A_815, %mul3A_816 : i32
      %add3A_818 = arith.addi %mul3A_817, %add3A : i32
      %dma_start3A_819 = arith.constant 0 : i32
      %dma_start3A_820 = arith.constant 0 : i32
      %dma_start3A_821 = tpu.memref_slice %arg3[%add3A_818, %dma_start3A_819, %dma_start3A_820] : memref<5056x2x128xi32, #tpu.memory_space<hbm>> -> memref<1x2x128xi32, #tpu.memory_space<hbm>>
      %dma_start3A_822 = tpu.memref_squeeze %dma_start3A_821 : memref<1x2x128xi32, #tpu.memory_space<hbm>> -> memref<2x128xi32, #tpu.memory_space<hbm>>
      %dma_start3A_823 = arith.constant 0 : i32
      %dma_start3A_824 = arith.constant 0 : i32
      %dma_start3A_825 = tpu.memref_slice %arg3[%add3A_818, %dma_start3A_823, %dma_start3A_824] : memref<5056x2x128xi32, #tpu.memory_space<hbm>> -> memref<1x2x128xi32, #tpu.memory_space<hbm>>
      %dma_start3A_826 = tpu.memref_squeeze %dma_start3A_825 : memref<1x2x128xi32, #tpu.memory_space<hbm>> -> memref<2x128xi32, #tpu.memory_space<hbm>>
      tpu.enqueue_dma source(%dma_start3A_826 : memref<2x128xi32, #tpu.memory_space<hbm>>) target(%arg6 : memref<2x128xi32, #tpu.memory_space<vmem>>) target_semaphore(%arg14 : memref<!tpu.dma_semaphore, #tpu.memory_space<semaphore_mem>>)
      %mul3A_827 = arith.constant 2 : i32
      %mul3A_828 = arith.muli %mul3A_827, %scan3A_728 : i32
      %add3A_829 = arith.constant 2 : i32
      %add3A_830 = arith.addi %mul3A_828, %add3A_829 : i32
      %add3A_831 = arith.constant 1 : i32
      %add3A_832 = arith.addi %add3A_830, %add3A_831 : i32
      %mul3A_833 = arith.constant 32 : i32
      %mul3A_834 = arith.muli %add3A_832, %mul3A_833 : i32
      %add3A_835 = arith.addi %mul3A_834, %add3A : i32
      %dma_wait3A_836 = arith.constant 0 : i32
      %dma_wait3A_837 = arith.constant 0 : i32
      %dma_wait3A_838 = tpu.memref_slice %arg3[%add3A_835, %dma_wait3A_836, %dma_wait3A_837] : memref<5056x2x128xi32, #tpu.memory_space<hbm>> -> memref<1x2x128xi32, #tpu.memory_space<hbm>>
      %dma_wait3A_839 = tpu.memref_squeeze %dma_wait3A_838 : memref<1x2x128xi32, #tpu.memory_space<hbm>> -> memref<2x128xi32, #tpu.memory_space<hbm>>
      %dma_wait3A_840 = arith.constant 0 : i32
      %dma_wait3A_841 = arith.constant 0 : i32
      %dma_wait3A_842 = tpu.memref_slice %arg3[%add3A_835, %dma_wait3A_840, %dma_wait3A_841] : memref<5056x2x128xi32, #tpu.memory_space<hbm>> -> memref<1x2x128xi32, #tpu.memory_space<hbm>>
      %dma_wait3A_843 = tpu.memref_squeeze %dma_wait3A_842 : memref<1x2x128xi32, #tpu.memory_space<hbm>> -> memref<2x128xi32, #tpu.memory_space<hbm>>
      tpu.wait_dma2 semaphore(%arg14 : memref<!tpu.dma_semaphore, #tpu.memory_space<semaphore_mem>>) src(%dma_wait3A_843 : memref<2x128xi32, #tpu.memory_space<hbm>>) dst(%arg6 : memref<2x128xi32, #tpu.memory_space<vmem>>)
      %dma_wait3A_844 = arith.constant 0 : i32
      %dma_wait3A_845 = arith.constant 0 : i32
      %dma_wait3A_846 = tpu.memref_slice %arg12[%dma_wait3A_844, %dma_wait3A_845] : memref<10240x128xf32, #tpu.memory_space<vmem_shared>> -> memref<10240x128xf32, #tpu.memory_space<vmem_shared>>
      tpu.wait_indirect_dma semaphore(%arg18 : memref<!tpu.dma_semaphore, #tpu.memory_space<semaphore_mem>>) src(%arg10 : memref<128x128xf32, #tpu.memory_space<vmem>>) dst(%dma_wait3A_846 : memref<10240x128xf32, #tpu.memory_space<vmem_shared>>)
      %dma_start3A_847 = arith.constant 0 : i32
      %dma_start3A_848 = arith.constant 0 : i32
      %dma_start3A_849 = tpu.memref_slice %arg6[%dma_start3A_847, %dma_start3A_848] : memref<2x128xi32, #tpu.memory_space<vmem>> -> memref<1x128xi32, #tpu.memory_space<vmem>>
      %dma_start3A_850 = tpu.memref_squeeze %dma_start3A_849 : memref<1x128xi32, #tpu.memory_space<vmem>> -> memref<128xi32, #tpu.memory_space<vmem>>
      %dma_start3A_851 = arith.constant 0 : i32
      %dma_start3A_852 = arith.constant 0 : i32
      %dma_start3A_853 = tpu.memref_slice %arg2[%dma_start3A_851, %dma_start3A_852] : memref<10000x128xf32, #tpu.memory_space<hbm>> -> memref<10000x128xf32, #tpu.memory_space<hbm>>
      tpu.enqueue_indirect_dma source(%dma_start3A_853 : memref<10000x128xf32, #tpu.memory_space<hbm>>) target(%arg10 : memref<128x128xf32, #tpu.memory_space<vmem>>) offsets(%dma_start3A_850 : memref<128xi32, #tpu.memory_space<vmem>>) semaphore(%arg16 : memref<!tpu.dma_semaphore, #tpu.memory_space<semaphore_mem>>)
      %dma_wait3A_854 = arith.constant 0 : i32
      %dma_wait3A_855 = arith.constant 0 : i32
      %dma_wait3A_856 = tpu.memref_slice %arg5[%dma_wait3A_854, %dma_wait3A_855] : memref<2x128xi32, #tpu.memory_space<vmem>> -> memref<1x128xi32, #tpu.memory_space<vmem>>
      %dma_wait3A_857 = tpu.memref_squeeze %dma_wait3A_856 : memref<1x128xi32, #tpu.memory_space<vmem>> -> memref<128xi32, #tpu.memory_space<vmem>>
      %dma_wait3A_858 = arith.constant 0 : i32
      %dma_wait3A_859 = arith.constant 0 : i32
      %dma_wait3A_860 = tpu.memref_slice %arg2[%dma_wait3A_858, %dma_wait3A_859] : memref<10000x128xf32, #tpu.memory_space<hbm>> -> memref<10000x128xf32, #tpu.memory_space<hbm>>
      tpu.wait_indirect_dma semaphore(%arg15 : memref<!tpu.dma_semaphore, #tpu.memory_space<semaphore_mem>>) src(%dma_wait3A_860 : memref<10000x128xf32, #tpu.memory_space<hbm>>) dst(%arg9 : memref<128x128xf32, #tpu.memory_space<vmem>>)
      %get3A_861 = arith.constant 1 : i32
      %get3A_862 = arith.index_cast %get3A_861 : i32 to index
      %get3A_863 = arith.constant 0 : index
      %get3A_864 = tpu.vector_load %arg5[%get3A_862, %get3A_863] {strides = array<i32>} : memref<2x128xi32, #tpu.memory_space<vmem>>, vector<16xi32>,
      %swap3A_865 = arith.constant 0 : index
      %swap3A_866 = tpu.vector_load %arg7[%swap3A_865] {strides = array<i32>} : memref<128xi32, #tpu.memory_space<vmem>>, vector<16xi32>,
      tpu.vector_store %arg7[%swap3A_865], %get3A_864 {strides = array<i32>} : memref<128xi32, #tpu.memory_space<vmem>>, vector<16xi32>,
      %get3A_867 = arith.constant 1 : i32
      %get3A_868 = arith.index_cast %get3A_867 : i32 to index
      %get3A_869 = arith.constant 16 : index
      %get3A_870 = tpu.vector_load %arg5[%get3A_868, %get3A_869] {strides = array<i32>} : memref<2x128xi32, #tpu.memory_space<vmem>>, vector<16xi32>,
      %swap3A_871 = arith.constant 16 : index
      %swap3A_872 = tpu.vector_load %arg7[%swap3A_871] {strides = array<i32>} : memref<128xi32, #tpu.memory_space<vmem>>, vector<16xi32>,
      tpu.vector_store %arg7[%swap3A_871], %get3A_870 {strides = array<i32>} : memref<128xi32, #tpu.memory_space<vmem>>, vector<16xi32>,
      %get3A_873 = arith.constant 1 : i32
      %get3A_874 = arith.index_cast %get3A_873 : i32 to index
      %get3A_875 = arith.constant 32 : index
      %get3A_876 = tpu.vector_load %arg5[%get3A_874, %get3A_875] {strides = array<i32>} : memref<2x128xi32, #tpu.memory_space<vmem>>, vector<16xi32>,
      %swap3A_877 = arith.constant 32 : index
      %swap3A_878 = tpu.vector_load %arg7[%swap3A_877] {strides = array<i32>} : memref<128xi32, #tpu.memory_space<vmem>>, vector<16xi32>,
      tpu.vector_store %arg7[%swap3A_877], %get3A_876 {strides = array<i32>} : memref<128xi32, #tpu.memory_space<vmem>>, vector<16xi32>,
      %get3A_879 = arith.constant 1 : i32
      %get3A_880 = arith.index_cast %get3A_879 : i32 to index
      %get3A_881 = arith.constant 48 : index
      %get3A_882 = tpu.vector_load %arg5[%get3A_880, %get3A_881] {strides = array<i32>} : memref<2x128xi32, #tpu.memory_space<vmem>>, vector<16xi32>,
      %swap3A_883 = arith.constant 48 : index
      %swap3A_884 = tpu.vector_load %arg7[%swap3A_883] {strides = array<i32>} : memref<128xi32, #tpu.memory_space<vmem>>, vector<16xi32>,
      tpu.vector_store %arg7[%swap3A_883], %get3A_882 {strides = array<i32>} : memref<128xi32, #tpu.memory_space<vmem>>, vector<16xi32>,
      %get3A_885 = arith.constant 1 : i32
      %get3A_886 = arith.index_cast %get3A_885 : i32 to index
      %get3A_887 = arith.constant 64 : index
      %get3A_888 = tpu.vector_load %arg5[%get3A_886, %get3A_887] {strides = array<i32>} : memref<2x128xi32, #tpu.memory_space<vmem>>, vector<16xi32>,
      %swap3A_889 = arith.constant 64 : index
      %swap3A_890 = tpu.vector_load %arg7[%swap3A_889] {strides = array<i32>} : memref<128xi32, #tpu.memory_space<vmem>>, vector<16xi32>,
      tpu.vector_store %arg7[%swap3A_889], %get3A_888 {strides = array<i32>} : memref<128xi32, #tpu.memory_space<vmem>>, vector<16xi32>,
      %get3A_891 = arith.constant 1 : i32
      %get3A_892 = arith.index_cast %get3A_891 : i32 to index
      %get3A_893 = arith.constant 80 : index
      %get3A_894 = tpu.vector_load %arg5[%get3A_892, %get3A_893] {strides = array<i32>} : memref<2x128xi32, #tpu.memory_space<vmem>>, vector<16xi32>,
      %swap3A_895 = arith.constant 80 : index
      %swap3A_896 = tpu.vector_load %arg7[%swap3A_895] {strides = array<i32>} : memref<128xi32, #tpu.memory_space<vmem>>, vector<16xi32>,
      tpu.vector_store %arg7[%swap3A_895], %get3A_894 {strides = array<i32>} : memref<128xi32, #tpu.memory_space<vmem>>, vector<16xi32>,
      %get3A_897 = arith.constant 1 : i32
      %get3A_898 = arith.index_cast %get3A_897 : i32 to index
      %get3A_899 = arith.constant 96 : index
      %get3A_900 = tpu.vector_load %arg5[%get3A_898, %get3A_899] {strides = array<i32>} : memref<2x128xi32, #tpu.memory_space<vmem>>, vector<16xi32>,
      %swap3A_901 = arith.constant 96 : index
      %swap3A_902 = tpu.vector_load %arg7[%swap3A_901] {strides = array<i32>} : memref<128xi32, #tpu.memory_space<vmem>>, vector<16xi32>,
      tpu.vector_store %arg7[%swap3A_901], %get3A_900 {strides = array<i32>} : memref<128xi32, #tpu.memory_space<vmem>>, vector<16xi32>,
      %get3A_903 = arith.constant 1 : i32
      %get3A_904 = arith.index_cast %get3A_903 : i32 to index
      %get3A_905 = arith.constant 112 : index
      %get3A_906 = tpu.vector_load %arg5[%get3A_904, %get3A_905] {strides = array<i32>} : memref<2x128xi32, #tpu.memory_space<vmem>>, vector<16xi32>,
      %swap3A_907 = arith.constant 112 : index
      %swap3A_908 = tpu.vector_load %arg7[%swap3A_907] {strides = array<i32>} : memref<128xi32, #tpu.memory_space<vmem>>, vector<16xi32>,
      tpu.vector_store %arg7[%swap3A_907], %get3A_906 {strides = array<i32>} : memref<128xi32, #tpu.memory_space<vmem>>, vector<16xi32>,
      %dma_start3A_909 = arith.constant 0 : i32
      %dma_start3A_910 = arith.constant 0 : i32
      %dma_start3A_911 = tpu.memref_slice %arg12[%dma_start3A_909, %dma_start3A_910] : memref<10240x128xf32, #tpu.memory_space<vmem_shared>> -> memref<10240x128xf32, #tpu.memory_space<vmem_shared>>
      tpu.enqueue_indirect_dma source(%arg9 : memref<128x128xf32, #tpu.memory_space<vmem>>) target(%dma_start3A_911 : memref<10240x128xf32, #tpu.memory_space<vmem_shared>>) offsets(%arg7 : memref<128xi32, #tpu.memory_space<vmem>>) semaphore(%arg17 : memref<!tpu.dma_semaphore, #tpu.memory_space<semaphore_mem>>) {add = true}
      %add3A_912 = arith.constant 2 : i32
      %add3A_913 = arith.addi %add3A_830, %add3A_912 : i32
      %mul3A_914 = arith.constant 32 : i32
      %mul3A_915 = arith.muli %add3A_913, %mul3A_914 : i32
      %add3A_916 = arith.addi %mul3A_915, %add3A : i32
      %dma_start3A_917 = arith.constant 0 : i32
      %dma_start3A_918 = arith.constant 0 : i32
      %dma_start3A_919 = tpu.memref_slice %arg3[%add3A_916, %dma_start3A_917, %dma_start3A_918] : memref<5056x2x128xi32, #tpu.memory_space<hbm>> -> memref<1x2x128xi32, #tpu.memory_space<hbm>>
      %dma_start3A_920 = tpu.memref_squeeze %dma_start3A_919 : memref<1x2x128xi32, #tpu.memory_space<hbm>> -> memref<2x128xi32, #tpu.memory_space<hbm>>
      %dma_start3A_921 = arith.constant 0 : i32
      %dma_start3A_922 = arith.constant 0 : i32
      %dma_start3A_923 = tpu.memref_slice %arg3[%add3A_916, %dma_start3A_921, %dma_start3A_922] : memref<5056x2x128xi32, #tpu.memory_space<hbm>> -> memref<1x2x128xi32, #tpu.memory_space<hbm>>
      %dma_start3A_924 = tpu.memref_squeeze %dma_start3A_923 : memref<1x2x128xi32, #tpu.memory_space<hbm>> -> memref<2x128xi32, #tpu.memory_space<hbm>>
      tpu.enqueue_dma source(%dma_start3A_924 : memref<2x128xi32, #tpu.memory_space<hbm>>) target(%arg5 : memref<2x128xi32, #tpu.memory_space<vmem>>) target_semaphore(%arg13 : memref<!tpu.dma_semaphore, #tpu.memory_space<semaphore_mem>>)
    }
    %scan3A_304 = arith.constant 77 : i32
    %add3A_305 = arith.constant 155 : i32
    %add3A_306 = arith.constant 1 : i32
    %add3A_307 = arith.addi %add3A_305, %add3A_306 : i32
    %mul3A_308 = arith.constant 32 : i32
    %mul3A_309 = arith.muli %add3A_307, %mul3A_308 : i32
    %add3A_310 = arith.addi %mul3A_309, %add3A : i32
    %dma_wait3A_311 = arith.constant 0 : i32
    %dma_wait3A_312 = arith.constant 0 : i32
    %dma_wait3A_313 = tpu.memref_slice %arg3[%add3A_310, %dma_wait3A_311, %dma_wait3A_312] : memref<5056x2x128xi32, #tpu.memory_space<hbm>> -> memref<1x2x128xi32, #tpu.memory_space<hbm>>
    %dma_wait3A_314 = tpu.memref_squeeze %dma_wait3A_313 : memref<1x2x128xi32, #tpu.memory_space<hbm>> -> memref<2x128xi32, #tpu.memory_space<hbm>>
    %dma_wait3A_315 = arith.constant 0 : i32
    %dma_wait3A_316 = arith.constant 0 : i32
    %dma_wait3A_317 = tpu.memref_slice %arg3[%add3A_310, %dma_wait3A_315, %dma_wait3A_316] : memref<5056x2x128xi32, #tpu.memory_space<hbm>> -> memref<1x2x128xi32, #tpu.memory_space<hbm>>
    %dma_wait3A_318 = tpu.memref_squeeze %dma_wait3A_317 : memref<1x2x128xi32, #tpu.memory_space<hbm>> -> memref<2x128xi32, #tpu.memory_space<hbm>>
    tpu.wait_dma2 semaphore(%arg13 : memref<!tpu.dma_semaphore, #tpu.memory_space<semaphore_mem>>) src(%dma_wait3A_318 : memref<2x128xi32, #tpu.memory_space<hbm>>) dst(%arg5 : memref<2x128xi32, #tpu.memory_space<vmem>>)
    %dma_wait3A_319 = arith.constant 0 : i32
    %dma_wait3A_320 = arith.constant 0 : i32
    %dma_wait3A_321 = tpu.memref_slice %arg12[%dma_wait3A_319, %dma_wait3A_320] : memref<10240x128xf32, #tpu.memory_space<vmem_shared>> -> memref<10240x128xf32, #tpu.memory_space<vmem_shared>>
    tpu.wait_indirect_dma semaphore(%arg17 : memref<!tpu.dma_semaphore, #tpu.memory_space<semaphore_mem>>) src(%arg9 : memref<128x128xf32, #tpu.memory_space<vmem>>) dst(%dma_wait3A_321 : memref<10240x128xf32, #tpu.memory_space<vmem_shared>>)
    %dma_start3A_322 = arith.constant 0 : i32
    %dma_start3A_323 = arith.constant 0 : i32
    %dma_start3A_324 = tpu.memref_slice %arg5[%dma_start3A_322, %dma_start3A_323] : memref<2x128xi32, #tpu.memory_space<vmem>> -> memref<1x128xi32, #tpu.memory_space<vmem>>
    %dma_start3A_325 = tpu.memref_squeeze %dma_start3A_324 : memref<1x128xi32, #tpu.memory_space<vmem>> -> memref<128xi32, #tpu.memory_space<vmem>>
    %dma_start3A_326 = arith.constant 0 : i32
    %dma_start3A_327 = arith.constant 0 : i32
    %dma_start3A_328 = tpu.memref_slice %arg2[%dma_start3A_326, %dma_start3A_327] : memref<10000x128xf32, #tpu.memory_space<hbm>> -> memref<10000x128xf32, #tpu.memory_space<hbm>>
    tpu.enqueue_indirect_dma source(%dma_start3A_328 : memref<10000x128xf32, #tpu.memory_space<hbm>>) target(%arg9 : memref<128x128xf32, #tpu.memory_space<vmem>>) offsets(%dma_start3A_325 : memref<128xi32, #tpu.memory_space<vmem>>) semaphore(%arg15 : memref<!tpu.dma_semaphore, #tpu.memory_space<semaphore_mem>>)
    %dma_wait3A_329 = arith.constant 0 : i32
    %dma_wait3A_330 = arith.constant 0 : i32
    %dma_wait3A_331 = tpu.memref_slice %arg6[%dma_wait3A_329, %dma_wait3A_330] : memref<2x128xi32, #tpu.memory_space<vmem>> -> memref<1x128xi32, #tpu.memory_space<vmem>>
    %dma_wait3A_332 = tpu.memref_squeeze %dma_wait3A_331 : memref<1x128xi32, #tpu.memory_space<vmem>> -> memref<128xi32, #tpu.memory_space<vmem>>
    %dma_wait3A_333 = arith.constant 0 : i32
    %dma_wait3A_334 = arith.constant 0 : i32
    %dma_wait3A_335 = tpu.memref_slice %arg2[%dma_wait3A_333, %dma_wait3A_334] : memref<10000x128xf32, #tpu.memory_space<hbm>> -> memref<10000x128xf32, #tpu.memory_space<hbm>>
    tpu.wait_indirect_dma semaphore(%arg16 : memref<!tpu.dma_semaphore, #tpu.memory_space<semaphore_mem>>) src(%dma_wait3A_335 : memref<10000x128xf32, #tpu.memory_space<hbm>>) dst(%arg10 : memref<128x128xf32, #tpu.memory_space<vmem>>)
    %get3A_336 = arith.constant 1 : i32
    %get3A_337 = arith.index_cast %get3A_336 : i32 to index
    %get3A_338 = arith.constant 0 : index
    %get3A_339 = tpu.vector_load %arg6[%get3A_337, %get3A_338] {strides = array<i32>} : memref<2x128xi32, #tpu.memory_space<vmem>>, vector<16xi32>,
    %swap3A_340 = arith.constant 0 : index
    %swap3A_341 = tpu.vector_load %arg8[%swap3A_340] {strides = array<i32>} : memref<128xi32, #tpu.memory_space<vmem>>, vector<16xi32>,
    tpu.vector_store %arg8[%swap3A_340], %get3A_339 {strides = array<i32>} : memref<128xi32, #tpu.memory_space<vmem>>, vector<16xi32>,
    %get3A_342 = arith.constant 1 : i32
    %get3A_343 = arith.index_cast %get3A_342 : i32 to index
    %get3A_344 = arith.constant 16 : index
    %get3A_345 = tpu.vector_load %arg6[%get3A_343, %get3A_344] {strides = array<i32>} : memref<2x128xi32, #tpu.memory_space<vmem>>, vector<16xi32>,
    %swap3A_346 = arith.constant 16 : index
    %swap3A_347 = tpu.vector_load %arg8[%swap3A_346] {strides = array<i32>} : memref<128xi32, #tpu.memory_space<vmem>>, vector<16xi32>,
    tpu.vector_store %arg8[%swap3A_346], %get3A_345 {strides = array<i32>} : memref<128xi32, #tpu.memory_space<vmem>>, vector<16xi32>,
    %get3A_348 = arith.constant 1 : i32
    %get3A_349 = arith.index_cast %get3A_348 : i32 to index
    %get3A_350 = arith.constant 32 : index
    %get3A_351 = tpu.vector_load %arg6[%get3A_349, %get3A_350] {strides = array<i32>} : memref<2x128xi32, #tpu.memory_space<vmem>>, vector<16xi32>,
    %swap3A_352 = arith.constant 32 : index
    %swap3A_353 = tpu.vector_load %arg8[%swap3A_352] {strides = array<i32>} : memref<128xi32, #tpu.memory_space<vmem>>, vector<16xi32>,
    tpu.vector_store %arg8[%swap3A_352], %get3A_351 {strides = array<i32>} : memref<128xi32, #tpu.memory_space<vmem>>, vector<16xi32>,
    %get3A_354 = arith.constant 1 : i32
    %get3A_355 = arith.index_cast %get3A_354 : i32 to index
    %get3A_356 = arith.constant 48 : index
    %get3A_357 = tpu.vector_load %arg6[%get3A_355, %get3A_356] {strides = array<i32>} : memref<2x128xi32, #tpu.memory_space<vmem>>, vector<16xi32>,
    %swap3A_358 = arith.constant 48 : index
    %swap3A_359 = tpu.vector_load %arg8[%swap3A_358] {strides = array<i32>} : memref<128xi32, #tpu.memory_space<vmem>>, vector<16xi32>,
    tpu.vector_store %arg8[%swap3A_358], %get3A_357 {strides = array<i32>} : memref<128xi32, #tpu.memory_space<vmem>>, vector<16xi32>,
    %get3A_360 = arith.constant 1 : i32
    %get3A_361 = arith.index_cast %get3A_360 : i32 to index
    %get3A_362 = arith.constant 64 : index
    %get3A_363 = tpu.vector_load %arg6[%get3A_361, %get3A_362] {strides = array<i32>} : memref<2x128xi32, #tpu.memory_space<vmem>>, vector<16xi32>,
    %swap3A_364 = arith.constant 64 : index
    %swap3A_365 = tpu.vector_load %arg8[%swap3A_364] {strides = array<i32>} : memref<128xi32, #tpu.memory_space<vmem>>, vector<16xi32>,
    tpu.vector_store %arg8[%swap3A_364], %get3A_363 {strides = array<i32>} : memref<128xi32, #tpu.memory_space<vmem>>, vector<16xi32>,
    %get3A_366 = arith.constant 1 : i32
    %get3A_367 = arith.index_cast %get3A_366 : i32 to index
    %get3A_368 = arith.constant 80 : index
    %get3A_369 = tpu.vector_load %arg6[%get3A_367, %get3A_368] {strides = array<i32>} : memref<2x128xi32, #tpu.memory_space<vmem>>, vector<16xi32>,
    %swap3A_370 = arith.constant 80 : index
    %swap3A_371 = tpu.vector_load %arg8[%swap3A_370] {strides = array<i32>} : memref<128xi32, #tpu.memory_space<vmem>>, vector<16xi32>,
    tpu.vector_store %arg8[%swap3A_370], %get3A_369 {strides = array<i32>} : memref<128xi32, #tpu.memory_space<vmem>>, vector<16xi32>,
    %get3A_372 = arith.constant 1 : i32
    %get3A_373 = arith.index_cast %get3A_372 : i32 to index
    %get3A_374 = arith.constant 96 : index
    %get3A_375 = tpu.vector_load %arg6[%get3A_373, %get3A_374] {strides = array<i32>} : memref<2x128xi32, #tpu.memory_space<vmem>>, vector<16xi32>,
    %swap3A_376 = arith.constant 96 : index
    %swap3A_377 = tpu.vector_load %arg8[%swap3A_376] {strides = array<i32>} : memref<128xi32, #tpu.memory_space<vmem>>, vector<16xi32>,
    tpu.vector_store %arg8[%swap3A_376], %get3A_375 {strides = array<i32>} : memref<128xi32, #tpu.memory_space<vmem>>, vector<16xi32>,
    %get3A_378 = arith.constant 1 : i32
    %get3A_379 = arith.index_cast %get3A_378 : i32 to index
    %get3A_380 = arith.constant 112 : index
    %get3A_381 = tpu.vector_load %arg6[%get3A_379, %get3A_380] {strides = array<i32>} : memref<2x128xi32, #tpu.memory_space<vmem>>, vector<16xi32>,
    %swap3A_382 = arith.constant 112 : index
    %swap3A_383 = tpu.vector_load %arg8[%swap3A_382] {strides = array<i32>} : memref<128xi32, #tpu.memory_space<vmem>>, vector<16xi32>,
    tpu.vector_store %arg8[%swap3A_382], %get3A_381 {strides = array<i32>} : memref<128xi32, #tpu.memory_space<vmem>>, vector<16xi32>,
    %dma_start3A_384 = arith.constant 0 : i32
    %dma_start3A_385 = arith.constant 0 : i32
    %dma_start3A_386 = tpu.memref_slice %arg12[%dma_start3A_384, %dma_start3A_385] : memref<10240x128xf32, #tpu.memory_space<vmem_shared>> -> memref<10240x128xf32, #tpu.memory_space<vmem_shared>>
    tpu.enqueue_indirect_dma source(%arg10 : memref<128x128xf32, #tpu.memory_space<vmem>>) target(%dma_start3A_386 : memref<10240x128xf32, #tpu.memory_space<vmem_shared>>) offsets(%arg8 : memref<128xi32, #tpu.memory_space<vmem>>) semaphore(%arg18 : memref<!tpu.dma_semaphore, #tpu.memory_space<semaphore_mem>>) {add = true}
    %add3A_387 = arith.constant 155 : i32
    %add3A_388 = arith.constant 2 : i32
    %add3A_389 = arith.addi %add3A_387, %add3A_388 : i32
    %mul3A_390 = arith.constant 32 : i32
    %mul3A_391 = arith.muli %add3A_389, %mul3A_390 : i32
    %add3A_392 = arith.addi %mul3A_391, %add3A : i32
    %dma_start3A_393 = arith.constant 0 : i32
    %dma_start3A_394 = arith.constant 0 : i32
    %dma_start3A_395 = tpu.memref_slice %arg3[%add3A_392, %dma_start3A_393, %dma_start3A_394] : memref<5056x2x128xi32, #tpu.memory_space<hbm>> -> memref<1x2x128xi32, #tpu.memory_space<hbm>>
    %dma_start3A_396 = tpu.memref_squeeze %dma_start3A_395 : memref<1x2x128xi32, #tpu.memory_space<hbm>> -> memref<2x128xi32, #tpu.memory_space<hbm>>
    %dma_start3A_397 = arith.constant 0 : i32
    %dma_start3A_398 = arith.constant 0 : i32
    %dma_start3A_399 = tpu.memref_slice %arg3[%add3A_392, %dma_start3A_397, %dma_start3A_398] : memref<5056x2x128xi32, #tpu.memory_space<hbm>> -> memref<1x2x128xi32, #tpu.memory_space<hbm>>
    %dma_start3A_400 = tpu.memref_squeeze %dma_start3A_399 : memref<1x2x128xi32, #tpu.memory_space<hbm>> -> memref<2x128xi32, #tpu.memory_space<hbm>>
    tpu.enqueue_dma source(%dma_start3A_400 : memref<2x128xi32, #tpu.memory_space<hbm>>) target(%arg6 : memref<2x128xi32, #tpu.memory_space<vmem>>) target_semaphore(%arg14 : memref<!tpu.dma_semaphore, #tpu.memory_space<semaphore_mem>>)
    %add3A_401 = arith.constant 156 : i32
    %add3A_402 = arith.constant 1 : i32
    %add3A_403 = arith.addi %add3A_401, %add3A_402 : i32
    %mul3A_404 = arith.constant 32 : i32
    %mul3A_405 = arith.muli %add3A_403, %mul3A_404 : i32
    %add3A_406 = arith.addi %mul3A_405, %add3A : i32
    %dma_wait3A_407 = arith.constant 0 : i32
    %dma_wait3A_408 = arith.constant 0 : i32
    %dma_wait3A_409 = tpu.memref_slice %arg3[%add3A_406, %dma_wait3A_407, %dma_wait3A_408] : memref<5056x2x128xi32, #tpu.memory_space<hbm>> -> memref<1x2x128xi32, #tpu.memory_space<hbm>>
    %dma_wait3A_410 = tpu.memref_squeeze %dma_wait3A_409 : memref<1x2x128xi32, #tpu.memory_space<hbm>> -> memref<2x128xi32, #tpu.memory_space<hbm>>
    %dma_wait3A_411 = arith.constant 0 : i32
    %dma_wait3A_412 = arith.constant 0 : i32
    %dma_wait3A_413 = tpu.memref_slice %arg3[%add3A_406, %dma_wait3A_411, %dma_wait3A_412] : memref<5056x2x128xi32, #tpu.memory_space<hbm>> -> memref<1x2x128xi32, #tpu.memory_space<hbm>>
    %dma_wait3A_414 = tpu.memref_squeeze %dma_wait3A_413 : memref<1x2x128xi32, #tpu.memory_space<hbm>> -> memref<2x128xi32, #tpu.memory_space<hbm>>
    tpu.wait_dma2 semaphore(%arg14 : memref<!tpu.dma_semaphore, #tpu.memory_space<semaphore_mem>>) src(%dma_wait3A_414 : memref<2x128xi32, #tpu.memory_space<hbm>>) dst(%arg6 : memref<2x128xi32, #tpu.memory_space<vmem>>)
    %dma_wait3A_415 = arith.constant 0 : i32
    %dma_wait3A_416 = arith.constant 0 : i32
    %dma_wait3A_417 = tpu.memref_slice %arg12[%dma_wait3A_415, %dma_wait3A_416] : memref<10240x128xf32, #tpu.memory_space<vmem_shared>> -> memref<10240x128xf32, #tpu.memory_space<vmem_shared>>
    tpu.wait_indirect_dma semaphore(%arg18 : memref<!tpu.dma_semaphore, #tpu.memory_space<semaphore_mem>>) src(%arg10 : memref<128x128xf32, #tpu.memory_space<vmem>>) dst(%dma_wait3A_417 : memref<10240x128xf32, #tpu.memory_space<vmem_shared>>)
    %dma_start3A_418 = arith.constant 0 : i32
    %dma_start3A_419 = arith.constant 0 : i32
    %dma_start3A_420 = tpu.memref_slice %arg6[%dma_start3A_418, %dma_start3A_419] : memref<2x128xi32, #tpu.memory_space<vmem>> -> memref<1x128xi32, #tpu.memory_space<vmem>>
    %dma_start3A_421 = tpu.memref_squeeze %dma_start3A_420 : memref<1x128xi32, #tpu.memory_space<vmem>> -> memref<128xi32, #tpu.memory_space<vmem>>
    %dma_start3A_422 = arith.constant 0 : i32
    %dma_start3A_423 = arith.constant 0 : i32
    %dma_start3A_424 = tpu.memref_slice %arg2[%dma_start3A_422, %dma_start3A_423] : memref<10000x128xf32, #tpu.memory_space<hbm>> -> memref<10000x128xf32, #tpu.memory_space<hbm>>
    tpu.enqueue_indirect_dma source(%dma_start3A_424 : memref<10000x128xf32, #tpu.memory_space<hbm>>) target(%arg10 : memref<128x128xf32, #tpu.memory_space<vmem>>) offsets(%dma_start3A_421 : memref<128xi32, #tpu.memory_space<vmem>>) semaphore(%arg16 : memref<!tpu.dma_semaphore, #tpu.memory_space<semaphore_mem>>)
    %dma_wait3A_425 = arith.constant 0 : i32
    %dma_wait3A_426 = arith.constant 0 : i32
    %dma_wait3A_427 = tpu.memref_slice %arg5[%dma_wait3A_425, %dma_wait3A_426] : memref<2x128xi32, #tpu.memory_space<vmem>> -> memref<1x128xi32, #tpu.memory_space<vmem>>
    %dma_wait3A_428 = tpu.memref_squeeze %dma_wait3A_427 : memref<1x128xi32, #tpu.memory_space<vmem>> -> memref<128xi32, #tpu.memory_space<vmem>>
    %dma_wait3A_429 = arith.constant 0 : i32
    %dma_wait3A_430 = arith.constant 0 : i32
    %dma_wait3A_431 = tpu.memref_slice %arg2[%dma_wait3A_429, %dma_wait3A_430] : memref<10000x128xf32, #tpu.memory_space<hbm>> -> memref<10000x128xf32, #tpu.memory_space<hbm>>
    tpu.wait_indirect_dma semaphore(%arg15 : memref<!tpu.dma_semaphore, #tpu.memory_space<semaphore_mem>>) src(%dma_wait3A_431 : memref<10000x128xf32, #tpu.memory_space<hbm>>) dst(%arg9 : memref<128x128xf32, #tpu.memory_space<vmem>>)
    %get3A_432 = arith.constant 1 : i32
    %get3A_433 = arith.index_cast %get3A_432 : i32 to index
    %get3A_434 = arith.constant 0 : index
    %get3A_435 = tpu.vector_load %arg5[%get3A_433, %get3A_434] {strides = array<i32>} : memref<2x128xi32, #tpu.memory_space<vmem>>, vector<16xi32>,
    %swap3A_436 = arith.constant 0 : index
    %swap3A_437 = tpu.vector_load %arg7[%swap3A_436] {strides = array<i32>} : memref<128xi32, #tpu.memory_space<vmem>>, vector<16xi32>,
    tpu.vector_store %arg7[%swap3A_436], %get3A_435 {strides = array<i32>} : memref<128xi32, #tpu.memory_space<vmem>>, vector<16xi32>,
    %get3A_438 = arith.constant 1 : i32
    %get3A_439 = arith.index_cast %get3A_438 : i32 to index
    %get3A_440 = arith.constant 16 : index
    %get3A_441 = tpu.vector_load %arg5[%get3A_439, %get3A_440] {strides = array<i32>} : memref<2x128xi32, #tpu.memory_space<vmem>>, vector<16xi32>,
    %swap3A_442 = arith.constant 16 : index
    %swap3A_443 = tpu.vector_load %arg7[%swap3A_442] {strides = array<i32>} : memref<128xi32, #tpu.memory_space<vmem>>, vector<16xi32>,
    tpu.vector_store %arg7[%swap3A_442], %get3A_441 {strides = array<i32>} : memref<128xi32, #tpu.memory_space<vmem>>, vector<16xi32>,
    %get3A_444 = arith.constant 1 : i32
    %get3A_445 = arith.index_cast %get3A_444 : i32 to index
    %get3A_446 = arith.constant 32 : index
    %get3A_447 = tpu.vector_load %arg5[%get3A_445, %get3A_446] {strides = array<i32>} : memref<2x128xi32, #tpu.memory_space<vmem>>, vector<16xi32>,
    %swap3A_448 = arith.constant 32 : index
    %swap3A_449 = tpu.vector_load %arg7[%swap3A_448] {strides = array<i32>} : memref<128xi32, #tpu.memory_space<vmem>>, vector<16xi32>,
    tpu.vector_store %arg7[%swap3A_448], %get3A_447 {strides = array<i32>} : memref<128xi32, #tpu.memory_space<vmem>>, vector<16xi32>,
    %get3A_450 = arith.constant 1 : i32
    %get3A_451 = arith.index_cast %get3A_450 : i32 to index
    %get3A_452 = arith.constant 48 : index
    %get3A_453 = tpu.vector_load %arg5[%get3A_451, %get3A_452] {strides = array<i32>} : memref<2x128xi32, #tpu.memory_space<vmem>>, vector<16xi32>,
    %swap3A_454 = arith.constant 48 : index
    %swap3A_455 = tpu.vector_load %arg7[%swap3A_454] {strides = array<i32>} : memref<128xi32, #tpu.memory_space<vmem>>, vector<16xi32>,
    tpu.vector_store %arg7[%swap3A_454], %get3A_453 {strides = array<i32>} : memref<128xi32, #tpu.memory_space<vmem>>, vector<16xi32>,
    %get3A_456 = arith.constant 1 : i32
    %get3A_457 = arith.index_cast %get3A_456 : i32 to index
    %get3A_458 = arith.constant 64 : index
    %get3A_459 = tpu.vector_load %arg5[%get3A_457, %get3A_458] {strides = array<i32>} : memref<2x128xi32, #tpu.memory_space<vmem>>, vector<16xi32>,
    %swap3A_460 = arith.constant 64 : index
    %swap3A_461 = tpu.vector_load %arg7[%swap3A_460] {strides = array<i32>} : memref<128xi32, #tpu.memory_space<vmem>>, vector<16xi32>,
    tpu.vector_store %arg7[%swap3A_460], %get3A_459 {strides = array<i32>} : memref<128xi32, #tpu.memory_space<vmem>>, vector<16xi32>,
    %get3A_462 = arith.constant 1 : i32
    %get3A_463 = arith.index_cast %get3A_462 : i32 to index
    %get3A_464 = arith.constant 80 : index
    %get3A_465 = tpu.vector_load %arg5[%get3A_463, %get3A_464] {strides = array<i32>} : memref<2x128xi32, #tpu.memory_space<vmem>>, vector<16xi32>,
    %swap3A_466 = arith.constant 80 : index
    %swap3A_467 = tpu.vector_load %arg7[%swap3A_466] {strides = array<i32>} : memref<128xi32, #tpu.memory_space<vmem>>, vector<16xi32>,
    tpu.vector_store %arg7[%swap3A_466], %get3A_465 {strides = array<i32>} : memref<128xi32, #tpu.memory_space<vmem>>, vector<16xi32>,
    %get3A_468 = arith.constant 1 : i32
    %get3A_469 = arith.index_cast %get3A_468 : i32 to index
    %get3A_470 = arith.constant 96 : index
    %get3A_471 = tpu.vector_load %arg5[%get3A_469, %get3A_470] {strides = array<i32>} : memref<2x128xi32, #tpu.memory_space<vmem>>, vector<16xi32>,
    %swap3A_472 = arith.constant 96 : index
    %swap3A_473 = tpu.vector_load %arg7[%swap3A_472] {strides = array<i32>} : memref<128xi32, #tpu.memory_space<vmem>>, vector<16xi32>,
    tpu.vector_store %arg7[%swap3A_472], %get3A_471 {strides = array<i32>} : memref<128xi32, #tpu.memory_space<vmem>>, vector<16xi32>,
    %get3A_474 = arith.constant 1 : i32
    %get3A_475 = arith.index_cast %get3A_474 : i32 to index
    %get3A_476 = arith.constant 112 : index
    %get3A_477 = tpu.vector_load %arg5[%get3A_475, %get3A_476] {strides = array<i32>} : memref<2x128xi32, #tpu.memory_space<vmem>>, vector<16xi32>,
    %swap3A_478 = arith.constant 112 : index
    %swap3A_479 = tpu.vector_load %arg7[%swap3A_478] {strides = array<i32>} : memref<128xi32, #tpu.memory_space<vmem>>, vector<16xi32>,
    tpu.vector_store %arg7[%swap3A_478], %get3A_477 {strides = array<i32>} : memref<128xi32, #tpu.memory_space<vmem>>, vector<16xi32>,
    %dma_start3A_480 = arith.constant 0 : i32
    %dma_start3A_481 = arith.constant 0 : i32
    %dma_start3A_482 = tpu.memref_slice %arg12[%dma_start3A_480, %dma_start3A_481] : memref<10240x128xf32, #tpu.memory_space<vmem_shared>> -> memref<10240x128xf32, #tpu.memory_space<vmem_shared>>
    tpu.enqueue_indirect_dma source(%arg9 : memref<128x128xf32, #tpu.memory_space<vmem>>) target(%dma_start3A_482 : memref<10240x128xf32, #tpu.memory_space<vmem_shared>>) offsets(%arg7 : memref<128xi32, #tpu.memory_space<vmem>>) semaphore(%arg17 : memref<!tpu.dma_semaphore, #tpu.memory_space<semaphore_mem>>) {add = true}
    %dma_wait3A_483 = arith.constant 0 : i32
    %dma_wait3A_484 = arith.constant 0 : i32
    %dma_wait3A_485 = tpu.memref_slice %arg6[%dma_wait3A_483, %dma_wait3A_484] : memref<2x128xi32, #tpu.memory_space<vmem>> -> memref<1x128xi32, #tpu.memory_space<vmem>>
    %dma_wait3A_486 = tpu.memref_squeeze %dma_wait3A_485 : memref<1x128xi32, #tpu.memory_space<vmem>> -> memref<128xi32, #tpu.memory_space<vmem>>
    %dma_wait3A_487 = arith.constant 0 : i32
    %dma_wait3A_488 = arith.constant 0 : i32
    %dma_wait3A_489 = tpu.memref_slice %arg2[%dma_wait3A_487, %dma_wait3A_488] : memref<10000x128xf32, #tpu.memory_space<hbm>> -> memref<10000x128xf32, #tpu.memory_space<hbm>>
    tpu.wait_indirect_dma semaphore(%arg16 : memref<!tpu.dma_semaphore, #tpu.memory_space<semaphore_mem>>) src(%dma_wait3A_489 : memref<10000x128xf32, #tpu.memory_space<hbm>>) dst(%arg10 : memref<128x128xf32, #tpu.memory_space<vmem>>)
    %get3A_490 = arith.constant 1 : i32
    %get3A_491 = arith.index_cast %get3A_490 : i32 to index
    %get3A_492 = arith.constant 0 : index
    %get3A_493 = tpu.vector_load %arg6[%get3A_491, %get3A_492] {strides = array<i32>} : memref<2x128xi32, #tpu.memory_space<vmem>>, vector<16xi32>,
    %swap3A_494 = arith.constant 0 : index
    %swap3A_495 = tpu.vector_load %arg8[%swap3A_494] {strides = array<i32>} : memref<128xi32, #tpu.memory_space<vmem>>, vector<16xi32>,
    tpu.vector_store %arg8[%swap3A_494], %get3A_493 {strides = array<i32>} : memref<128xi32, #tpu.memory_space<vmem>>, vector<16xi32>,
    %get3A_496 = arith.constant 1 : i32
    %get3A_497 = arith.index_cast %get3A_496 : i32 to index
    %get3A_498 = arith.constant 16 : index
    %get3A_499 = tpu.vector_load %arg6[%get3A_497, %get3A_498] {strides = array<i32>} : memref<2x128xi32, #tpu.memory_space<vmem>>, vector<16xi32>,
    %swap3A_500 = arith.constant 16 : index
    %swap3A_501 = tpu.vector_load %arg8[%swap3A_500] {strides = array<i32>} : memref<128xi32, #tpu.memory_space<vmem>>, vector<16xi32>,
    tpu.vector_store %arg8[%swap3A_500], %get3A_499 {strides = array<i32>} : memref<128xi32, #tpu.memory_space<vmem>>, vector<16xi32>,
    %get3A_502 = arith.constant 1 : i32
    %get3A_503 = arith.index_cast %get3A_502 : i32 to index
    %get3A_504 = arith.constant 32 : index
    %get3A_505 = tpu.vector_load %arg6[%get3A_503, %get3A_504] {strides = array<i32>} : memref<2x128xi32, #tpu.memory_space<vmem>>, vector<16xi32>,
    %swap3A_506 = arith.constant 32 : index
    %swap3A_507 = tpu.vector_load %arg8[%swap3A_506] {strides = array<i32>} : memref<128xi32, #tpu.memory_space<vmem>>, vector<16xi32>,
    tpu.vector_store %arg8[%swap3A_506], %get3A_505 {strides = array<i32>} : memref<128xi32, #tpu.memory_space<vmem>>, vector<16xi32>,
    %get3A_508 = arith.constant 1 : i32
    %get3A_509 = arith.index_cast %get3A_508 : i32 to index
    %get3A_510 = arith.constant 48 : index
    %get3A_511 = tpu.vector_load %arg6[%get3A_509, %get3A_510] {strides = array<i32>} : memref<2x128xi32, #tpu.memory_space<vmem>>, vector<16xi32>,
    %swap3A_512 = arith.constant 48 : index
    %swap3A_513 = tpu.vector_load %arg8[%swap3A_512] {strides = array<i32>} : memref<128xi32, #tpu.memory_space<vmem>>, vector<16xi32>,
    tpu.vector_store %arg8[%swap3A_512], %get3A_511 {strides = array<i32>} : memref<128xi32, #tpu.memory_space<vmem>>, vector<16xi32>,
    %get3A_514 = arith.constant 1 : i32
    %get3A_515 = arith.index_cast %get3A_514 : i32 to index
    %get3A_516 = arith.constant 64 : index
    %get3A_517 = tpu.vector_load %arg6[%get3A_515, %get3A_516] {strides = array<i32>} : memref<2x128xi32, #tpu.memory_space<vmem>>, vector<16xi32>,
    %swap3A_518 = arith.constant 64 : index
    %swap3A_519 = tpu.vector_load %arg8[%swap3A_518] {strides = array<i32>} : memref<128xi32, #tpu.memory_space<vmem>>, vector<16xi32>,
    tpu.vector_store %arg8[%swap3A_518], %get3A_517 {strides = array<i32>} : memref<128xi32, #tpu.memory_space<vmem>>, vector<16xi32>,
    %get3A_520 = arith.constant 1 : i32
    %get3A_521 = arith.index_cast %get3A_520 : i32 to index
    %get3A_522 = arith.constant 80 : index
    %get3A_523 = tpu.vector_load %arg6[%get3A_521, %get3A_522] {strides = array<i32>} : memref<2x128xi32, #tpu.memory_space<vmem>>, vector<16xi32>,
    %swap3A_524 = arith.constant 80 : index
    %swap3A_525 = tpu.vector_load %arg8[%swap3A_524] {strides = array<i32>} : memref<128xi32, #tpu.memory_space<vmem>>, vector<16xi32>,
    tpu.vector_store %arg8[%swap3A_524], %get3A_523 {strides = array<i32>} : memref<128xi32, #tpu.memory_space<vmem>>, vector<16xi32>,
    %get3A_526 = arith.constant 1 : i32
    %get3A_527 = arith.index_cast %get3A_526 : i32 to index
    %get3A_528 = arith.constant 96 : index
    %get3A_529 = tpu.vector_load %arg6[%get3A_527, %get3A_528] {strides = array<i32>} : memref<2x128xi32, #tpu.memory_space<vmem>>, vector<16xi32>,
    %swap3A_530 = arith.constant 96 : index
    %swap3A_531 = tpu.vector_load %arg8[%swap3A_530] {strides = array<i32>} : memref<128xi32, #tpu.memory_space<vmem>>, vector<16xi32>,
    tpu.vector_store %arg8[%swap3A_530], %get3A_529 {strides = array<i32>} : memref<128xi32, #tpu.memory_space<vmem>>, vector<16xi32>,
    %get3A_532 = arith.constant 1 : i32
    %get3A_533 = arith.index_cast %get3A_532 : i32 to index
    %get3A_534 = arith.constant 112 : index
    %get3A_535 = tpu.vector_load %arg6[%get3A_533, %get3A_534] {strides = array<i32>} : memref<2x128xi32, #tpu.memory_space<vmem>>, vector<16xi32>,
    %swap3A_536 = arith.constant 112 : index
    %swap3A_537 = tpu.vector_load %arg8[%swap3A_536] {strides = array<i32>} : memref<128xi32, #tpu.memory_space<vmem>>, vector<16xi32>,
    tpu.vector_store %arg8[%swap3A_536], %get3A_535 {strides = array<i32>} : memref<128xi32, #tpu.memory_space<vmem>>, vector<16xi32>,
    %dma_start3A_538 = arith.constant 0 : i32
    %dma_start3A_539 = arith.constant 0 : i32
    %dma_start3A_540 = tpu.memref_slice %arg12[%dma_start3A_538, %dma_start3A_539] : memref<10240x128xf32, #tpu.memory_space<vmem_shared>> -> memref<10240x128xf32, #tpu.memory_space<vmem_shared>>
    tpu.enqueue_indirect_dma source(%arg10 : memref<128x128xf32, #tpu.memory_space<vmem>>) target(%dma_start3A_540 : memref<10240x128xf32, #tpu.memory_space<vmem_shared>>) offsets(%arg8 : memref<128xi32, #tpu.memory_space<vmem>>) semaphore(%arg18 : memref<!tpu.dma_semaphore, #tpu.memory_space<semaphore_mem>>) {add = true}
    %dma_wait3A_541 = arith.constant 0 : i32
    %dma_wait3A_542 = arith.constant 0 : i32
    %dma_wait3A_543 = tpu.memref_slice %arg12[%dma_wait3A_541, %dma_wait3A_542] : memref<10240x128xf32, #tpu.memory_space<vmem_shared>> -> memref<10240x128xf32, #tpu.memory_space<vmem_shared>>
    tpu.wait_indirect_dma semaphore(%arg17 : memref<!tpu.dma_semaphore, #tpu.memory_space<semaphore_mem>>) src(%arg9 : memref<128x128xf32, #tpu.memory_space<vmem>>) dst(%dma_wait3A_543 : memref<10240x128xf32, #tpu.memory_space<vmem_shared>>)
    %dma_wait3A_544 = arith.constant 0 : i32
    %dma_wait3A_545 = arith.constant 0 : i32
    %dma_wait3A_546 = tpu.memref_slice %arg12[%dma_wait3A_544, %dma_wait3A_545] : memref<10240x128xf32, #tpu.memory_space<vmem_shared>> -> memref<10240x128xf32, #tpu.memory_space<vmem_shared>>
    tpu.wait_indirect_dma semaphore(%arg18 : memref<!tpu.dma_semaphore, #tpu.memory_space<semaphore_mem>>) src(%arg10 : memref<128x128xf32, #tpu.memory_space<vmem>>) dst(%dma_wait3A_546 : memref<10240x128xf32, #tpu.memory_space<vmem_shared>>)
    %barrier3A_547 = arith.constant 0 : index
    tpu.barrier barrier_id(%barrier3A_547)
    %mul3A_548 = arith.constant 640 : i32
    %mul3A_549 = arith.muli %arg1, %mul3A_548 : i32
    %add3A_550 = arith.constant 0 : i32
    %add3A_551 = arith.addi %mul3A_549, %add3A_550 : i32
    %dma_start3A_552 = arith.constant 0 : i32
    %dma_start3A_553 = tpu.memref_slice %arg4[%arg0, %add3A_551, %dma_start3A_552] : memref<2x10240x128xf32, #tpu.memory_space<hbm>> -> memref<1x64x128xf32, #tpu.memory_space<hbm>>
    %dma_start3A_554 = tpu.memref_squeeze %dma_start3A_553 : memref<1x64x128xf32, #tpu.memory_space<hbm>> -> memref<64x128xf32, #tpu.memory_space<hbm>>
    %dma_start3A_555 = arith.constant 0 : i32
    %dma_start3A_556 = tpu.memref_slice %arg12[%add3A_551, %dma_start3A_555] : memref<10240x128xf32, #tpu.memory_space<vmem_shared>> -> memref<64x128xf32, #tpu.memory_space<vmem_shared>>
    tpu.enqueue_dma source(%dma_start3A_556 : memref<64x128xf32, #tpu.memory_space<vmem_shared>>) target(%dma_start3A_554 : memref<64x128xf32, #tpu.memory_space<hbm>>) target_semaphore(%arg19 : memref<!tpu.dma_semaphore, #tpu.memory_space<semaphore_mem>>)
    %mul3A_557 = arith.constant 640 : i32
    %mul3A_558 = arith.muli %arg1, %mul3A_557 : i32
    %add3A_559 = arith.constant 64 : i32
    %add3A_560 = arith.addi %mul3A_558, %add3A_559 : i32
    %dma_start3A_561 = arith.constant 0 : i32
    %dma_start3A_562 = tpu.memref_slice %arg4[%arg0, %add3A_560, %dma_start3A_561] : memref<2x10240x128xf32, #tpu.memory_space<hbm>> -> memref<1x64x128xf32, #tpu.memory_space<hbm>>
    %dma_start3A_563 = tpu.memref_squeeze %dma_start3A_562 : memref<1x64x128xf32, #tpu.memory_space<hbm>> -> memref<64x128xf32, #tpu.memory_space<hbm>>
    %dma_start3A_564 = arith.constant 0 : i32
    %dma_start3A_565 = tpu.memref_slice %arg12[%add3A_560, %dma_start3A_564] : memref<10240x128xf32, #tpu.memory_space<vmem_shared>> -> memref<64x128xf32, #tpu.memory_space<vmem_shared>>
    tpu.enqueue_dma source(%dma_start3A_565 : memref<64x128xf32, #tpu.memory_space<vmem_shared>>) target(%dma_start3A_563 : memref<64x128xf32, #tpu.memory_space<hbm>>) target_semaphore(%arg19 : memref<!tpu.dma_semaphore, #tpu.memory_space<semaphore_mem>>)
    %mul3A_566 = arith.constant 640 : i32
    %mul3A_567 = arith.muli %arg1, %mul3A_566 : i32
    %add3A_568 = arith.constant 128 : i32
    %add3A_569 = arith.addi %mul3A_567, %add3A_568 : i32
    %dma_start3A_570 = arith.constant 0 : i32
    %dma_start3A_571 = tpu.memref_slice %arg4[%arg0, %add3A_569, %dma_start3A_570] : memref<2x10240x128xf32, #tpu.memory_space<hbm>> -> memref<1x64x128xf32, #tpu.memory_space<hbm>>
    %dma_start3A_572 = tpu.memref_squeeze %dma_start3A_571 : memref<1x64x128xf32, #tpu.memory_space<hbm>> -> memref<64x128xf32, #tpu.memory_space<hbm>>
    %dma_start3A_573 = arith.constant 0 : i32
    %dma_start3A_574 = tpu.memref_slice %arg12[%add3A_569, %dma_start3A_573] : memref<10240x128xf32, #tpu.memory_space<vmem_shared>> -> memref<64x128xf32, #tpu.memory_space<vmem_shared>>
    tpu.enqueue_dma source(%dma_start3A_574 : memref<64x128xf32, #tpu.memory_space<vmem_shared>>) target(%dma_start3A_572 : memref<64x128xf32, #tpu.memory_space<hbm>>) target_semaphore(%arg19 : memref<!tpu.dma_semaphore, #tpu.memory_space<semaphore_mem>>)
    %mul3A_575 = arith.constant 640 : i32
    %mul3A_576 = arith.muli %arg1, %mul3A_575 : i32
    %add3A_577 = arith.constant 192 : i32
    %add3A_578 = arith.addi %mul3A_576, %add3A_577 : i32
    %dma_start3A_579 = arith.constant 0 : i32
    %dma_start3A_580 = tpu.memref_slice %arg4[%arg0, %add3A_578, %dma_start3A_579] : memref<2x10240x128xf32, #tpu.memory_space<hbm>> -> memref<1x64x128xf32, #tpu.memory_space<hbm>>
    %dma_start3A_581 = tpu.memref_squeeze %dma_start3A_580 : memref<1x64x128xf32, #tpu.memory_space<hbm>> -> memref<64x128xf32, #tpu.memory_space<hbm>>
    %dma_start3A_582 = arith.constant 0 : i32
    %dma_start3A_583 = tpu.memref_slice %arg12[%add3A_578, %dma_start3A_582] : memref<10240x128xf32, #tpu.memory_space<vmem_shared>> -> memref<64x128xf32, #tpu.memory_space<vmem_shared>>
    tpu.enqueue_dma source(%dma_start3A_583 : memref<64x128xf32, #tpu.memory_space<vmem_shared>>) target(%dma_start3A_581 : memref<64x128xf32, #tpu.memory_space<hbm>>) target_semaphore(%arg19 : memref<!tpu.dma_semaphore, #tpu.memory_space<semaphore_mem>>)
    %mul3A_584 = arith.constant 640 : i32
    %mul3A_585 = arith.muli %arg1, %mul3A_584 : i32
    %add3A_586 = arith.constant 256 : i32
    %add3A_587 = arith.addi %mul3A_585, %add3A_586 : i32
    %dma_start3A_588 = arith.constant 0 : i32
    %dma_start3A_589 = tpu.memref_slice %arg4[%arg0, %add3A_587, %dma_start3A_588] : memref<2x10240x128xf32, #tpu.memory_space<hbm>> -> memref<1x64x128xf32, #tpu.memory_space<hbm>>
    %dma_start3A_590 = tpu.memref_squeeze %dma_start3A_589 : memref<1x64x128xf32, #tpu.memory_space<hbm>> -> memref<64x128xf32, #tpu.memory_space<hbm>>
    %dma_start3A_591 = arith.constant 0 : i32
    %dma_start3A_592 = tpu.memref_slice %arg12[%add3A_587, %dma_start3A_591] : memref<10240x128xf32, #tpu.memory_space<vmem_shared>> -> memref<64x128xf32, #tpu.memory_space<vmem_shared>>
    tpu.enqueue_dma source(%dma_start3A_592 : memref<64x128xf32, #tpu.memory_space<vmem_shared>>) target(%dma_start3A_590 : memref<64x128xf32, #tpu.memory_space<hbm>>) target_semaphore(%arg19 : memref<!tpu.dma_semaphore, #tpu.memory_space<semaphore_mem>>)
    %mul3A_593 = arith.constant 640 : i32
    %mul3A_594 = arith.muli %arg1, %mul3A_593 : i32
    %add3A_595 = arith.constant 320 : i32
    %add3A_596 = arith.addi %mul3A_594, %add3A_595 : i32
    %dma_start3A_597 = arith.constant 0 : i32
    %dma_start3A_598 = tpu.memref_slice %arg4[%arg0, %add3A_596, %dma_start3A_597] : memref<2x10240x128xf32, #tpu.memory_space<hbm>> -> memref<1x64x128xf32, #tpu.memory_space<hbm>>
    %dma_start3A_599 = tpu.memref_squeeze %dma_start3A_598 : memref<1x64x128xf32, #tpu.memory_space<hbm>> -> memref<64x128xf32, #tpu.memory_space<hbm>>
    %dma_start3A_600 = arith.constant 0 : i32
    %dma_start3A_601 = tpu.memref_slice %arg12[%add3A_596, %dma_start3A_600] : memref<10240x128xf32, #tpu.memory_space<vmem_shared>> -> memref<64x128xf32, #tpu.memory_space<vmem_shared>>
    tpu.enqueue_dma source(%dma_start3A_601 : memref<64x128xf32, #tpu.memory_space<vmem_shared>>) target(%dma_start3A_599 : memref<64x128xf32, #tpu.memory_space<hbm>>) target_semaphore(%arg19 : memref<!tpu.dma_semaphore, #tpu.memory_space<semaphore_mem>>)
    %mul3A_602 = arith.constant 640 : i32
    %mul3A_603 = arith.muli %arg1, %mul3A_602 : i32
    %add3A_604 = arith.constant 384 : i32
    %add3A_605 = arith.addi %mul3A_603, %add3A_604 : i32
    %dma_start3A_606 = arith.constant 0 : i32
    %dma_start3A_607 = tpu.memref_slice %arg4[%arg0, %add3A_605, %dma_start3A_606] : memref<2x10240x128xf32, #tpu.memory_space<hbm>> -> memref<1x64x128xf32, #tpu.memory_space<hbm>>
    %dma_start3A_608 = tpu.memref_squeeze %dma_start3A_607 : memref<1x64x128xf32, #tpu.memory_space<hbm>> -> memref<64x128xf32, #tpu.memory_space<hbm>>
    %dma_start3A_609 = arith.constant 0 : i32
    %dma_start3A_610 = tpu.memref_slice %arg12[%add3A_605, %dma_start3A_609] : memref<10240x128xf32, #tpu.memory_space<vmem_shared>> -> memref<64x128xf32, #tpu.memory_space<vmem_shared>>
    tpu.enqueue_dma source(%dma_start3A_610 : memref<64x128xf32, #tpu.memory_space<vmem_shared>>) target(%dma_start3A_608 : memref<64x128xf32, #tpu.memory_space<hbm>>) target_semaphore(%arg19 : memref<!tpu.dma_semaphore, #tpu.memory_space<semaphore_mem>>)
    %mul3A_611 = arith.constant 640 : i32
    %mul3A_612 = arith.muli %arg1, %mul3A_611 : i32
    %add3A_613 = arith.constant 448 : i32
    %add3A_614 = arith.addi %mul3A_612, %add3A_613 : i32
    %dma_start3A_615 = arith.constant 0 : i32
    %dma_start3A_616 = tpu.memref_slice %arg4[%arg0, %add3A_614, %dma_start3A_615] : memref<2x10240x128xf32, #tpu.memory_space<hbm>> -> memref<1x64x128xf32, #tpu.memory_space<hbm>>
    %dma_start3A_617 = tpu.memref_squeeze %dma_start3A_616 : memref<1x64x128xf32, #tpu.memory_space<hbm>> -> memref<64x128xf32, #tpu.memory_space<hbm>>
    %dma_start3A_618 = arith.constant 0 : i32
    %dma_start3A_619 = tpu.memref_slice %arg12[%add3A_614, %dma_start3A_618] : memref<10240x128xf32, #tpu.memory_space<vmem_shared>> -> memref<64x128xf32, #tpu.memory_space<vmem_shared>>
    tpu.enqueue_dma source(%dma_start3A_619 : memref<64x128xf32, #tpu.memory_space<vmem_shared>>) target(%dma_start3A_617 : memref<64x128xf32, #tpu.memory_space<hbm>>) target_semaphore(%arg19 : memref<!tpu.dma_semaphore, #tpu.memory_space<semaphore_mem>>)
    %mul3A_620 = arith.constant 640 : i32
    %mul3A_621 = arith.muli %arg1, %mul3A_620 : i32
    %add3A_622 = arith.constant 512 : i32
    %add3A_623 = arith.addi %mul3A_621, %add3A_622 : i32
    %dma_start3A_624 = arith.constant 0 : i32
    %dma_start3A_625 = tpu.memref_slice %arg4[%arg0, %add3A_623, %dma_start3A_624] : memref<2x10240x128xf32, #tpu.memory_space<hbm>> -> memref<1x64x128xf32, #tpu.memory_space<hbm>>
    %dma_start3A_626 = tpu.memref_squeeze %dma_start3A_625 : memref<1x64x128xf32, #tpu.memory_space<hbm>> -> memref<64x128xf32, #tpu.memory_space<hbm>>
    %dma_start3A_627 = arith.constant 0 : i32
    %dma_start3A_628 = tpu.memref_slice %arg12[%add3A_623, %dma_start3A_627] : memref<10240x128xf32, #tpu.memory_space<vmem_shared>> -> memref<64x128xf32, #tpu.memory_space<vmem_shared>>
    tpu.enqueue_dma source(%dma_start3A_628 : memref<64x128xf32, #tpu.memory_space<vmem_shared>>) target(%dma_start3A_626 : memref<64x128xf32, #tpu.memory_space<hbm>>) target_semaphore(%arg19 : memref<!tpu.dma_semaphore, #tpu.memory_space<semaphore_mem>>)
    %mul3A_629 = arith.constant 640 : i32
    %mul3A_630 = arith.muli %arg1, %mul3A_629 : i32
    %add3A_631 = arith.constant 576 : i32
    %add3A_632 = arith.addi %mul3A_630, %add3A_631 : i32
    %dma_start3A_633 = arith.constant 0 : i32
    %dma_start3A_634 = tpu.memref_slice %arg4[%arg0, %add3A_632, %dma_start3A_633] : memref<2x10240x128xf32, #tpu.memory_space<hbm>> -> memref<1x64x128xf32, #tpu.memory_space<hbm>>
    %dma_start3A_635 = tpu.memref_squeeze %dma_start3A_634 : memref<1x64x128xf32, #tpu.memory_space<hbm>> -> memref<64x128xf32, #tpu.memory_space<hbm>>
    %dma_start3A_636 = arith.constant 0 : i32
    %dma_start3A_637 = tpu.memref_slice %arg12[%add3A_632, %dma_start3A_636] : memref<10240x128xf32, #tpu.memory_space<vmem_shared>> -> memref<64x128xf32, #tpu.memory_space<vmem_shared>>
    tpu.enqueue_dma source(%dma_start3A_637 : memref<64x128xf32, #tpu.memory_space<vmem_shared>>) target(%dma_start3A_635 : memref<64x128xf32, #tpu.memory_space<hbm>>) target_semaphore(%arg19 : memref<!tpu.dma_semaphore, #tpu.memory_space<semaphore_mem>>)
    %mul3A_638 = arith.constant 640 : i32
    %mul3A_639 = arith.muli %arg1, %mul3A_638 : i32
    %add3A_640 = arith.constant 0 : i32
    %add3A_641 = arith.addi %mul3A_639, %add3A_640 : i32
    %dma_wait3A_642 = arith.constant 0 : i32
    %dma_wait3A_643 = tpu.memref_slice %arg4[%arg0, %add3A_641, %dma_wait3A_642] : memref<2x10240x128xf32, #tpu.memory_space<hbm>> -> memref<1x64x128xf32, #tpu.memory_space<hbm>>
    %dma_wait3A_644 = tpu.memref_squeeze %dma_wait3A_643 : memref<1x64x128xf32, #tpu.memory_space<hbm>> -> memref<64x128xf32, #tpu.memory_space<hbm>>
    %dma_wait3A_645 = arith.constant 0 : i32
    %dma_wait3A_646 = tpu.memref_slice %arg12[%add3A_641, %dma_wait3A_645] : memref<10240x128xf32, #tpu.memory_space<vmem_shared>> -> memref<64x128xf32, #tpu.memory_space<vmem_shared>>
    tpu.wait_dma2 semaphore(%arg19 : memref<!tpu.dma_semaphore, #tpu.memory_space<semaphore_mem>>) src(%dma_wait3A_646 : memref<64x128xf32, #tpu.memory_space<vmem_shared>>) dst(%dma_wait3A_644 : memref<64x128xf32, #tpu.memory_space<hbm>>)
    %mul3A_647 = arith.constant 640 : i32
    %mul3A_648 = arith.muli %arg1, %mul3A_647 : i32
    %add3A_649 = arith.constant 64 : i32
    %add3A_650 = arith.addi %mul3A_648, %add3A_649 : i32
    %dma_wait3A_651 = arith.constant 0 : i32
    %dma_wait3A_652 = tpu.memref_slice %arg4[%arg0, %add3A_650, %dma_wait3A_651] : memref<2x10240x128xf32, #tpu.memory_space<hbm>> -> memref<1x64x128xf32, #tpu.memory_space<hbm>>
    %dma_wait3A_653 = tpu.memref_squeeze %dma_wait3A_652 : memref<1x64x128xf32, #tpu.memory_space<hbm>> -> memref<64x128xf32, #tpu.memory_space<hbm>>
    %dma_wait3A_654 = arith.constant 0 : i32
    %dma_wait3A_655 = tpu.memref_slice %arg12[%add3A_650, %dma_wait3A_654] : memref<10240x128xf32, #tpu.memory_space<vmem_shared>> -> memref<64x128xf32, #tpu.memory_space<vmem_shared>>
    tpu.wait_dma2 semaphore(%arg19 : memref<!tpu.dma_semaphore, #tpu.memory_space<semaphore_mem>>) src(%dma_wait3A_655 : memref<64x128xf32, #tpu.memory_space<vmem_shared>>) dst(%dma_wait3A_653 : memref<64x128xf32, #tpu.memory_space<hbm>>)
    %mul3A_656 = arith.constant 640 : i32
    %mul3A_657 = arith.muli %arg1, %mul3A_656 : i32
    %add3A_658 = arith.constant 128 : i32
    %add3A_659 = arith.addi %mul3A_657, %add3A_658 : i32
    %dma_wait3A_660 = arith.constant 0 : i32
    %dma_wait3A_661 = tpu.memref_slice %arg4[%arg0, %add3A_659, %dma_wait3A_660] : memref<2x10240x128xf32, #tpu.memory_space<hbm>> -> memref<1x64x128xf32, #tpu.memory_space<hbm>>
    %dma_wait3A_662 = tpu.memref_squeeze %dma_wait3A_661 : memref<1x64x128xf32, #tpu.memory_space<hbm>> -> memref<64x128xf32, #tpu.memory_space<hbm>>
    %dma_wait3A_663 = arith.constant 0 : i32
    %dma_wait3A_664 = tpu.memref_slice %arg12[%add3A_659, %dma_wait3A_663] : memref<10240x128xf32, #tpu.memory_space<vmem_shared>> -> memref<64x128xf32, #tpu.memory_space<vmem_shared>>
    tpu.wait_dma2 semaphore(%arg19 : memref<!tpu.dma_semaphore, #tpu.memory_space<semaphore_mem>>) src(%dma_wait3A_664 : memref<64x128xf32, #tpu.memory_space<vmem_shared>>) dst(%dma_wait3A_662 : memref<64x128xf32, #tpu.memory_space<hbm>>)
    %mul3A_665 = arith.constant 640 : i32
    %mul3A_666 = arith.muli %arg1, %mul3A_665 : i32
    %add3A_667 = arith.constant 192 : i32
    %add3A_668 = arith.addi %mul3A_666, %add3A_667 : i32
    %dma_wait3A_669 = arith.constant 0 : i32
    %dma_wait3A_670 = tpu.memref_slice %arg4[%arg0, %add3A_668, %dma_wait3A_669] : memref<2x10240x128xf32, #tpu.memory_space<hbm>> -> memref<1x64x128xf32, #tpu.memory_space<hbm>>
    %dma_wait3A_671 = tpu.memref_squeeze %dma_wait3A_670 : memref<1x64x128xf32, #tpu.memory_space<hbm>> -> memref<64x128xf32, #tpu.memory_space<hbm>>
    %dma_wait3A_672 = arith.constant 0 : i32
    %dma_wait3A_673 = tpu.memref_slice %arg12[%add3A_668, %dma_wait3A_672] : memref<10240x128xf32, #tpu.memory_space<vmem_shared>> -> memref<64x128xf32, #tpu.memory_space<vmem_shared>>
    tpu.wait_dma2 semaphore(%arg19 : memref<!tpu.dma_semaphore, #tpu.memory_space<semaphore_mem>>) src(%dma_wait3A_673 : memref<64x128xf32, #tpu.memory_space<vmem_shared>>) dst(%dma_wait3A_671 : memref<64x128xf32, #tpu.memory_space<hbm>>)
    %mul3A_674 = arith.constant 640 : i32
    %mul3A_675 = arith.muli %arg1, %mul3A_674 : i32
    %add3A_676 = arith.constant 256 : i32
    %add3A_677 = arith.addi %mul3A_675, %add3A_676 : i32
    %dma_wait3A_678 = arith.constant 0 : i32
    %dma_wait3A_679 = tpu.memref_slice %arg4[%arg0, %add3A_677, %dma_wait3A_678] : memref<2x10240x128xf32, #tpu.memory_space<hbm>> -> memref<1x64x128xf32, #tpu.memory_space<hbm>>
    %dma_wait3A_680 = tpu.memref_squeeze %dma_wait3A_679 : memref<1x64x128xf32, #tpu.memory_space<hbm>> -> memref<64x128xf32, #tpu.memory_space<hbm>>
    %dma_wait3A_681 = arith.constant 0 : i32
    %dma_wait3A_682 = tpu.memref_slice %arg12[%add3A_677, %dma_wait3A_681] : memref<10240x128xf32, #tpu.memory_space<vmem_shared>> -> memref<64x128xf32, #tpu.memory_space<vmem_shared>>
    tpu.wait_dma2 semaphore(%arg19 : memref<!tpu.dma_semaphore, #tpu.memory_space<semaphore_mem>>) src(%dma_wait3A_682 : memref<64x128xf32, #tpu.memory_space<vmem_shared>>) dst(%dma_wait3A_680 : memref<64x128xf32, #tpu.memory_space<hbm>>)
    %mul3A_683 = arith.constant 640 : i32
    %mul3A_684 = arith.muli %arg1, %mul3A_683 : i32
    %add3A_685 = arith.constant 320 : i32
    %add3A_686 = arith.addi %mul3A_684, %add3A_685 : i32
    %dma_wait3A_687 = arith.constant 0 : i32
    %dma_wait3A_688 = tpu.memref_slice %arg4[%arg0, %add3A_686, %dma_wait3A_687] : memref<2x10240x128xf32, #tpu.memory_space<hbm>> -> memref<1x64x128xf32, #tpu.memory_space<hbm>>
    %dma_wait3A_689 = tpu.memref_squeeze %dma_wait3A_688 : memref<1x64x128xf32, #tpu.memory_space<hbm>> -> memref<64x128xf32, #tpu.memory_space<hbm>>
    %dma_wait3A_690 = arith.constant 0 : i32
    %dma_wait3A_691 = tpu.memref_slice %arg12[%add3A_686, %dma_wait3A_690] : memref<10240x128xf32, #tpu.memory_space<vmem_shared>> -> memref<64x128xf32, #tpu.memory_space<vmem_shared>>
    tpu.wait_dma2 semaphore(%arg19 : memref<!tpu.dma_semaphore, #tpu.memory_space<semaphore_mem>>) src(%dma_wait3A_691 : memref<64x128xf32, #tpu.memory_space<vmem_shared>>) dst(%dma_wait3A_689 : memref<64x128xf32, #tpu.memory_space<hbm>>)
    %mul3A_692 = arith.constant 640 : i32
    %mul3A_693 = arith.muli %arg1, %mul3A_692 : i32
    %add3A_694 = arith.constant 384 : i32
    %add3A_695 = arith.addi %mul3A_693, %add3A_694 : i32
    %dma_wait3A_696 = arith.constant 0 : i32
    %dma_wait3A_697 = tpu.memref_slice %arg4[%arg0, %add3A_695, %dma_wait3A_696] : memref<2x10240x128xf32, #tpu.memory_space<hbm>> -> memref<1x64x128xf32, #tpu.memory_space<hbm>>
    %dma_wait3A_698 = tpu.memref_squeeze %dma_wait3A_697 : memref<1x64x128xf32, #tpu.memory_space<hbm>> -> memref<64x128xf32, #tpu.memory_space<hbm>>
    %dma_wait3A_699 = arith.constant 0 : i32
    %dma_wait3A_700 = tpu.memref_slice %arg12[%add3A_695, %dma_wait3A_699] : memref<10240x128xf32, #tpu.memory_space<vmem_shared>> -> memref<64x128xf32, #tpu.memory_space<vmem_shared>>
    tpu.wait_dma2 semaphore(%arg19 : memref<!tpu.dma_semaphore, #tpu.memory_space<semaphore_mem>>) src(%dma_wait3A_700 : memref<64x128xf32, #tpu.memory_space<vmem_shared>>) dst(%dma_wait3A_698 : memref<64x128xf32, #tpu.memory_space<hbm>>)
    %mul3A_701 = arith.constant 640 : i32
    %mul3A_702 = arith.muli %arg1, %mul3A_701 : i32
    %add3A_703 = arith.constant 448 : i32
    %add3A_704 = arith.addi %mul3A_702, %add3A_703 : i32
    %dma_wait3A_705 = arith.constant 0 : i32
    %dma_wait3A_706 = tpu.memref_slice %arg4[%arg0, %add3A_704, %dma_wait3A_705] : memref<2x10240x128xf32, #tpu.memory_space<hbm>> -> memref<1x64x128xf32, #tpu.memory_space<hbm>>
    %dma_wait3A_707 = tpu.memref_squeeze %dma_wait3A_706 : memref<1x64x128xf32, #tpu.memory_space<hbm>> -> memref<64x128xf32, #tpu.memory_space<hbm>>
    %dma_wait3A_708 = arith.constant 0 : i32
    %dma_wait3A_709 = tpu.memref_slice %arg12[%add3A_704, %dma_wait3A_708] : memref<10240x128xf32, #tpu.memory_space<vmem_shared>> -> memref<64x128xf32, #tpu.memory_space<vmem_shared>>
    tpu.wait_dma2 semaphore(%arg19 : memref<!tpu.dma_semaphore, #tpu.memory_space<semaphore_mem>>) src(%dma_wait3A_709 : memref<64x128xf32, #tpu.memory_space<vmem_shared>>) dst(%dma_wait3A_707 : memref<64x128xf32, #tpu.memory_space<hbm>>)
    %mul3A_710 = arith.constant 640 : i32
    %mul3A_711 = arith.muli %arg1, %mul3A_710 : i32
    %add3A_712 = arith.constant 512 : i32
    %add3A_713 = arith.addi %mul3A_711, %add3A_712 : i32
    %dma_wait3A_714 = arith.constant 0 : i32
    %dma_wait3A_715 = tpu.memref_slice %arg4[%arg0, %add3A_713, %dma_wait3A_714] : memref<2x10240x128xf32, #tpu.memory_space<hbm>> -> memref<1x64x128xf32, #tpu.memory_space<hbm>>
    %dma_wait3A_716 = tpu.memref_squeeze %dma_wait3A_715 : memref<1x64x128xf32, #tpu.memory_space<hbm>> -> memref<64x128xf32, #tpu.memory_space<hbm>>
    %dma_wait3A_717 = arith.constant 0 : i32
    %dma_wait3A_718 = tpu.memref_slice %arg12[%add3A_713, %dma_wait3A_717] : memref<10240x128xf32, #tpu.memory_space<vmem_shared>> -> memref<64x128xf32, #tpu.memory_space<vmem_shared>>
    tpu.wait_dma2 semaphore(%arg19 : memref<!tpu.dma_semaphore, #tpu.memory_space<semaphore_mem>>) src(%dma_wait3A_718 : memref<64x128xf32, #tpu.memory_space<vmem_shared>>) dst(%dma_wait3A_716 : memref<64x128xf32, #tpu.memory_space<hbm>>)
    %mul3A_719 = arith.constant 640 : i32
    %mul3A_720 = arith.muli %arg1, %mul3A_719 : i32
    %add3A_721 = arith.constant 576 : i32
    %add3A_722 = arith.addi %mul3A_720, %add3A_721 : i32
    %dma_wait3A_723 = arith.constant 0 : i32
    %dma_wait3A_724 = tpu.memref_slice %arg4[%arg0, %add3A_722, %dma_wait3A_723] : memref<2x10240x128xf32, #tpu.memory_space<hbm>> -> memref<1x64x128xf32, #tpu.memory_space<hbm>>
    %dma_wait3A_725 = tpu.memref_squeeze %dma_wait3A_724 : memref<1x64x128xf32, #tpu.memory_space<hbm>> -> memref<64x128xf32, #tpu.memory_space<hbm>>
    %dma_wait3A_726 = arith.constant 0 : i32
    %dma_wait3A_727 = tpu.memref_slice %arg12[%add3A_722, %dma_wait3A_726] : memref<10240x128xf32, #tpu.memory_space<vmem_shared>> -> memref<64x128xf32, #tpu.memory_space<vmem_shared>>
    tpu.wait_dma2 semaphore(%arg19 : memref<!tpu.dma_semaphore, #tpu.memory_space<semaphore_mem>>) src(%dma_wait3A_727 : memref<64x128xf32, #tpu.memory_space<vmem_shared>>) dst(%dma_wait3A_725 : memref<64x128xf32, #tpu.memory_space<hbm>>)
    return
  }
}

module attributes {stable_mosaic.version = 14 : i64} {
  func.func @_mm_body(%arg0: memref<10000x128xf32, #tpu.memory_space<vmem>>, %arg1: memref<128x128xf32, #tpu.memory_space<vmem>>, %arg2: memref<1x128xf32, #tpu.memory_space<vmem>>, %arg3: memref<32x10000xf32, #tpu.memory_space<vmem>>, %arg4: memref<10000x128xf32, #tpu.memory_space<vmem>>) attributes {dimension_semantics = [], scalar_prefetch = 0 : i64, scratch_operands = 0 : i64, tpu.core_type = #tpu.core_type<tc>} {
    %get3A = arith.constant 0 : index
    %get3A_0 = arith.constant 0 : index
    %get3A_1 = vector.load %arg3[%get3A, %get3A_0] : memref<32x10000xf32, #tpu.memory_space<vmem>>, vector<32x10000xf32>
    %reduce_sum3A = arith.constant dense<0.000000e+00> : vector<10000xf32>
    %reduce_sum3A_2 = vector.multi_reduction <add>, %get3A_1, %reduce_sum3A [0] : vector<32x10000xf32> to vector<10000xf32>
    %add3A = arith.constant 1.000000e+00 : f32
    %add3A_3 = vector.broadcast %add3A : f32 to vector<10000xf32>
    %add3A_4 = arith.addf %reduce_sum3A_2, %add3A_3 : vector<10000xf32>
    %rsqrt3A = math.rsqrt %add3A_4 : vector<10000xf32>
    %get3A_5 = arith.constant 0 : index
    %get3A_6 = arith.constant 0 : index
    %get3A_7 = vector.load %arg0[%get3A_5, %get3A_6] : memref<10000x128xf32, #tpu.memory_space<vmem>>, vector<10000x128xf32>
    %get3A_8 = arith.constant 0 : index
    %get3A_9 = arith.constant 0 : index
    %get3A_10 = vector.load %arg1[%get3A_8, %get3A_9] : memref<128x128xf32, #tpu.memory_space<vmem>>, vector<128x128xf32>
    %dot_general3A = arith.constant dense<0.000000e+00> : vector<10000x128xf32>
    %dot_general3A_11 = tpu.matmul %get3A_7, %get3A_10, %dot_general3A {dimension_numbers = #tpu.dot_dimension_numbers<[1], [0], [0], [1], [0, 0, 1, 1], [], []>, transpose_lhs_hint = false} : vector<10000x128xf32>, vector<128x128xf32>, vector<10000x128xf32> -> vector<10000x128xf32>
    %get3A_12 = arith.constant 0 : index
    %get3A_13 = arith.constant 0 : index
    %get3A_14 = vector.load %arg2[%get3A_12, %get3A_13] : memref<1x128xf32, #tpu.memory_space<vmem>>, vector<1x128xf32>
    %add3A_15 = vector.broadcast %get3A_14 : vector<1x128xf32> to vector<10000x128xf32>
    %add3A_16 = arith.addf %dot_general3A_11, %add3A_15 : vector<10000x128xf32>
    %broadcast_in_dim3A = vector.shape_cast %rsqrt3A : vector<10000xf32> to vector<10000x1xf32>
    %mul3A = vector.broadcast %broadcast_in_dim3A : vector<10000x1xf32> to vector<10000x128xf32>
    %mul3A_17 = arith.mulf %add3A_16, %mul3A : vector<10000x128xf32>
    %swap3A = arith.constant 0 : index
    %swap3A_18 = arith.constant 0 : index
    %swap3A_19 = vector.load %arg4[%swap3A, %swap3A_18] : memref<10000x128xf32, #tpu.memory_space<vmem>>, vector<10000x128xf32>
    tpu.vector_store %arg4[%swap3A, %swap3A_18], %mul3A_17 {strides = array<i32>} : memref<10000x128xf32, #tpu.memory_space<vmem>>, vector<10000x128xf32>,
    return
  }
}

module attributes {stable_mosaic.version = 14 : i64} {
  func.func @_comb_body(%arg0: memref<2x10240x128xf32, #tpu.memory_space<vmem>>, %arg1: memref<10000x128xf32, #tpu.memory_space<vmem>>, %arg2: memref<32x10000xf32, #tpu.memory_space<vmem>>, %arg3: memref<10000x128xf32, #tpu.memory_space<vmem>>) attributes {dimension_semantics = [], scalar_prefetch = 0 : i64, scratch_operands = 0 : i64, tpu.core_type = #tpu.core_type<tc>} {
    %get3A = arith.constant 0 : index
    %get3A_0 = arith.constant 0 : index
    %get3A_1 = vector.load %arg2[%get3A, %get3A_0] : memref<32x10000xf32, #tpu.memory_space<vmem>>, vector<32x10000xf32>
    %reduce_sum3A = arith.constant dense<0.000000e+00> : vector<10000xf32>
    %reduce_sum3A_2 = vector.multi_reduction <add>, %get3A_1, %reduce_sum3A [0] : vector<32x10000xf32> to vector<10000xf32>
    %add3A = arith.constant 1.000000e+00 : f32
    %add3A_3 = vector.broadcast %add3A : f32 to vector<10000xf32>
    %add3A_4 = arith.addf %reduce_sum3A_2, %add3A_3 : vector<10000xf32>
    %rsqrt3A = math.rsqrt %add3A_4 : vector<10000xf32>
    %get3A_5 = arith.constant 0 : index
    %get3A_6 = arith.constant 0 : index
    %get3A_7 = arith.constant 0 : index
    %get3A_8 = vector.load %arg0[%get3A_5, %get3A_6, %get3A_7] : memref<2x10240x128xf32, #tpu.memory_space<vmem>>, vector<1x10000x128xf32>
    %get3A_9 = vector.shape_cast %get3A_8 : vector<1x10000x128xf32> to vector<10000x128xf32>
    %get3A_10 = arith.constant 1 : index
    %get3A_11 = arith.constant 0 : index
    %get3A_12 = arith.constant 0 : index
    %get3A_13 = vector.load %arg0[%get3A_10, %get3A_11, %get3A_12] : memref<2x10240x128xf32, #tpu.memory_space<vmem>>, vector<1x10000x128xf32>
    %get3A_14 = vector.shape_cast %get3A_13 : vector<1x10000x128xf32> to vector<10000x128xf32>
    %add3A_15 = arith.addf %get3A_9, %get3A_14 : vector<10000x128xf32>
    %get3A_16 = arith.constant 0 : index
    %get3A_17 = arith.constant 0 : index
    %get3A_18 = vector.load %arg1[%get3A_16, %get3A_17] : memref<10000x128xf32, #tpu.memory_space<vmem>>, vector<10000x128xf32>
    %add3A_19 = arith.addf %add3A_15, %get3A_18 : vector<10000x128xf32>
    %broadcast_in_dim3A = vector.shape_cast %rsqrt3A : vector<10000xf32> to vector<10000x1xf32>
    %mul3A = vector.broadcast %broadcast_in_dim3A : vector<10000x1xf32> to vector<10000x128xf32>
    %mul3A_20 = arith.mulf %add3A_19, %mul3A : vector<10000x128xf32>
    %swap3A = arith.constant 0 : index
    %swap3A_21 = arith.constant 0 : index
    %swap3A_22 = vector.load %arg3[%swap3A, %swap3A_21] : memref<10000x128xf32, #tpu.memory_space<vmem>>, vector<10000x128xf32>
    tpu.vector_store %arg3[%swap3A, %swap3A_21], %mul3A_20 {strides = array<i32>} : memref<10000x128xf32, #tpu.memory_space<vmem>>, vector<10000x128xf32>,
    return
  }
}

</mosaic_0001>

<sc_bundles>
// kernel: kernel.6.cloned.1.call-start
scs
__scs_entry_jumppad:
0x0: {  	(pc) =	sbr.rel $0x88, $3  }
0x1: {  	(tag) =	ssettag $0x0;
	lr =	simm.s32 $0x1  }
0x2: {  	[smem:$0x3F9D] =	sst lr;
	_ =	strace $0xD0000000  }
0x3: {  	_ = 	snop  }
0x4: {  	_ = 	snop  }
0x5: {  	_ = 	snop  }
0x6: {  	_ = 	snop  }
0x7: {  	_ = 	snop  }
__scs_overlays_trampoline_lowered:
0x8: {  	[smem:$0x3FAC] =	sst s0  }
0x9: {  	[smem:$0x3FAD] =	sst s1  }
0xa: {  	[smem:$0x3FAE] =	sst s2  }
0xb: {  	[smem:$0x3FAF] =	sst s3  }
0xc: {  	[smem:$0x3FB0] =	sst s4  }
0xd: {  	[smem:$0x3FB1] =	sst s5  }
0xe: {  	[smem:$0x3FB2] =	sst s6  }
0xf: {  	[smem:$0x3FB3] =	sst s7  }
0x10: {  	[smem:$0x3FB4] =	sst s8  }
0x11: {  	[smem:$0x3FB5] =	sst s9;
	s0 =	simm.s32 @!p0 $0x0  }
0x12: {  	s1 =	sld [smem:$0x3F9B];
	s0 =	simm.s32 @p0 $0x1  }
0x13: {  	[smem:$0x3FB6] =	sst s0;
	s0 =	simm.s32 @!p1 $0x0  }
0x14: {  	s2 =	sld [smem:$0x3F9A];
	s0 =	simm.s32 @p1 $0x1  }
0x15: {  	[smem:$0x3FB7] =	sst s0;
	s0 =	simm.s32 @!p2 $0x0  }
0x16: {  	s3 =	sld [smem:$0x3FDB];
	s0 =	simm.s32 @p2 $0x1  }
0x17: {  	s4 =	simm.s32 $0x1BF5;
	[smem:$0x3FB9] =	sst s0  }
0x18: {  	s0 =	sld [smem:$0x3F9C];
	_ =	swait.ge [sflag:s4], $0x0  }
0x19: {  	s7 =	sld [smem:$0x3F9D]  }
0x1a: {  	s8 =	sadd.s32 $0xFFFFE003, lr  }
0x1b: {  	s9 =	sadd.s32 $0xFFFFFEF7, lr;
	s5 =	simm.s32 $0xFFFFFFFF;
	p2 =	slt.u32 s8, $0xFFFFF086  }
0x1c: {  	p1 =	slt.u32 s9, $0xF7A;
	s5 =	simm.s32 @!p2 $0x0  }
0x1d: {  	s5 =	simm.s32 @p1 $0x1;
	p0 =	seq.s32 s7, s2  }
0x1e: {  	s7 =	smul.u32 @!p0 $0xF7A, s2;
	p2 =	seq.s32 @!p0 s5, $0x0  }
0x1f: {  	s9 =	smul.u32 $0xF7A, s1;
	s8 =	simm.s32 @!p0 $0x1BF5;
	p2 =	por !p2, p0  }
0x20: {  	[sflag:s8] =	ssyncset.s32 @!p0 $0xFFFFF086;
	s6 =	sadd.s32 @!p0 s3, s7;
	s7 =	simm.s32 @!p0 $0x108  }
0x21: {  	s3 =	sadd.s32 s3, s9;
	s6 =	sadd.s32 @!p0 $0x88, s6;
	s7 =	simm.s32 @p2 $0x1082  }
0x22: {  	[simem:s7], [sflag:s8] =	dma.local @!p0 [hbm:s6], $0xF7A  }
0x23: {  	s9 =	sor.u32 $0xD0000000, s2;
	s6 =	simm.s32 $0x108;
	_ =	swait.ge @!p0 [sflag:s8], $0x0  }
0x24: {  	s3 =	sadd.s32 $0x88, s3;
	s6 =	simm.s32 @!p1 $0x1082;
	[sflag:s4] =	ssyncset.s32 $0xFFFFF086  }
0x25: {  	[simem:s6], [sflag:s4] =	dma.local [hbm:s3], $0xF7A  }
0x26: {  	[smem:$0x3F9D] =	sst s1;
	(tag) =	ssettag s2;
	_ =	strace s9  }
0x27: {  	s1 =	sld [smem:$0x3FAD]  }
0x28: {  	s2 =	sld [smem:$0x3FAE]  }
0x29: {  	s4 =	sld [smem:$0x3FB0]  }
0x2a: {  	p0 =	seq.s32 s5, $0x0;
	s5 =	sld [smem:$0x3FB1]  }
0x2b: {  	s6 =	sld [smem:$0x3FB2]  }
0x2c: {  	s7 =	sld [smem:$0x3FB3]  }
0x2d: {  	s3 =	simm.s32 $0x108;
	s8 =	sld [smem:$0x3FB4]  }
0x2e: {  	s3 =	simm.s32 @!p0 $0x1082;
	s9 =	sld [smem:$0x3FB5]  }
0x2f: {  	lr =	sadd.s32 s0, s3;
	s0 =	sld [smem:$0x3FAC]  }
0x30: {  	s3 =	sld [smem:$0x3FAF]  }
0x31: {  	[smem:$0x3FB8] =	sst s10  }
0x32: {  	s10 =	sld [smem:$0x3FB6];
	_ =	sdelay $0x3  }
0x33: {  	p0 =	seq.s32 s10, $0x1;
	s10 =	sld [smem:$0x3FB8];
	_ =	sdelay $0x3  }
0x34: {  	[smem:$0x3FB8] =	sst s10  }
0x35: {  	s10 =	sld [smem:$0x3FB7];
	_ =	sdelay $0x3  }
0x36: {  	p1 =	seq.s32 s10, $0x1;
	s10 =	sld [smem:$0x3FB8];
	_ =	sdelay $0x3  }
0x37: {  	[smem:$0x3FB8] =	sst s10  }
0x38: {  	s10 =	sld [smem:$0x3FB9]  }
0x39: {  	_ = 	snop;
	(pc) =	sbr.ind lr, $3  }
0x3a: {  	_ = 	snop  }
0x3b: {  	_ = 	snop  }
0x3c: {  	p2 =	seq.s32 s10, $0x1;
	s10 =	sld [smem:$0x3FB8]  }
0x3d: {  	_ =	shalt  }
0x3e: {  	_ =	shalt  }
0x3f: {  	_ =	shalt  }
0x40: {  	_ =	shalt  }
0x41: {  	_ =	shalt  }
0x42: {  	_ =	shalt  }
0x43: {  	_ =	shalt  }
0x44: {  	_ =	shalt  }
0x45: {  	_ =	shalt  }
0x46: {  	_ =	shalt  }
0x47: {  	_ =	shalt  }
0x48: {  	_ =	shalt  }
0x49: {  	_ =	shalt  }
0x4a: {  	_ =	shalt  }
0x4b: {  	_ =	shalt  }
0x4c: {  	_ =	shalt  }
0x4d: {  	_ =	shalt  }
0x4e: {  	_ =	shalt  }
0x4f: {  	_ =	shalt  }
0x50: {  	_ =	shalt  }
0x51: {  	_ =	shalt  }
0x52: {  	_ =	shalt  }
0x53: {  	_ =	shalt  }
0x54: {  	_ =	shalt  }
0x55: {  	_ =	shalt  }
0x56: {  	_ =	shalt  }
0x57: {  	_ =	shalt  }
0x58: {  	_ =	shalt  }
0x59: {  	_ =	shalt  }
0x5a: {  	_ =	shalt  }
0x5b: {  	_ =	shalt  }
0x5c: {  	_ =	shalt  }
0x5d: {  	_ =	shalt  }
0x5e: {  	_ =	shalt  }
0x5f: {  	_ =	shalt  }
0x60: {  	_ =	shalt  }
0x61: {  	_ =	shalt  }
0x62: {  	_ =	shalt  }
0x63: {  	_ =	shalt  }
0x64: {  	_ =	shalt  }
0x65: {  	_ =	shalt  }
0x66: {  	_ =	shalt  }
0x67: {  	_ =	shalt  }
0x68: {  	_ =	shalt  }
0x69: {  	_ =	shalt  }
0x6a: {  	_ =	shalt  }
0x6b: {  	_ =	shalt  }
0x6c: {  	_ =	shalt  }
0x6d: {  	_ =	shalt  }
0x6e: {  	_ =	shalt  }
0x6f: {  	_ =	shalt  }
0x70: {  	_ =	shalt  }
0x71: {  	_ =	shalt  }
0x72: {  	_ =	shalt  }
0x73: {  	_ =	shalt  }
0x74: {  	_ =	shalt  }
0x75: {  	_ =	shalt  }
0x76: {  	_ =	shalt  }
0x77: {  	_ =	shalt  }
0x78: {  	_ =	shalt  }
0x79: {  	_ =	shalt  }
0x7a: {  	_ =	shalt  }
0x7b: {  	_ =	shalt  }
0x7c: {  	_ =	shalt  }
0x7d: {  	_ =	shalt  }
0x7e: {  	_ =	shalt  }
0x7f: {  	_ =	shalt  }
0x80: {  	_ =	shalt  }
0x81: {  	_ =	shalt  }
0x82: {  	_ =	shalt  }
0x83: {  	_ =	shalt  }
0x84: {  	_ =	shalt  }
0x85: {  	_ =	shalt  }
0x86: {  	_ =	shalt  }
0x87: {  	_ =	shalt  }
.Lfunc_end0:
.L_simem_size_0:
called_computation_lowered:
.L_overlay_start_0:
0x88: {  	s2 =	sld [smem:$0x3FD9]  }
0x89: {  	s3 =	sld [smem:$0x3FFE];
	_ =	sdelay $0x1  }
0x8a: {  	s1 =	srdreg.scid  }
0x8b: {  	s0 =	sand.u32 $0x1, s1  }
0x8c: {  	s17 =	sshll.u32 s0, $0xA;
	s2 =	sadd.s32 s3, s2  }
0x8d: {  	s2 =	sadd.s32 s2, s17  }
0x8e: {  	[smem:$0x3FC4] =	sst s2  }
0x8f: {  	_ = 	snop  }
0x90: {  	s2 =	sld [smem:$0x3FD0];
	(tm) =	ssettm $0x1  }
0x91: {  	s18 =	sld [smem:$0x3FFB];
	_ =	sdelay $0x3  }
0x92: {  	_ =	strace s18  }
0x93: {  	s3 =	sld [smem:$0x3FFC];
	_ =	sdelay $0x3  }
0x94: {  	_ =	strace s3  }
0x95: {  	s3 =	sld [smem:$0x3FFD];
	_ =	sdelay $0x3  }
0x96: {  	_ =	strace s3  }
0x97: {  	_ =	strace $0x8FFFFFFF  }
0x98: {  	s19 =	sld [smem:$0x3FDB];
	_ =	sdelay $0x1  }
0x99: {  	s4 =	simm.s32 $_scs_section_size  }
0x9a: {  	s5 =	simm.s32 $_size__tile_overlayer_lowered;
	s6 =	simm.s32 $_tile_overlayer_lowered  }
0x9b: {  	s22 =	simm.s32 $0x1BFF;
	s21 =	sshll.u32 s6, $0x1;
	s3 =	sadd.s32 s4, s19  }
0x9c: {  	s7 =	simm.s32 $0x0;
	s20 =	sshll.u32 s5, $0x1;
	s5 =	sadd.s32 s21, s3  }
0x9d: {  	[timem:s7], [sflag:s22] =	dma.local [hbm:s5], s20  }
0x9e: {  	_ =	swait.ge [sflag:s22], s20  }
0x9f: {  	s4 =	ssub.s32 $0x0, s20;
	[sflag:s22] =	ssyncset.done $0x0  }
0xa0: {  	[sflag:s22] =	ssyncadd.s32 s4;
	_ =	sdelay $0x1  }
0xa1: {  	s23 =	simm.s32 $0x1B8B  }
0xa2: {  	_ =	swait.ge [sflag:s23], $0x1  }
0xa3: {  	[sflag:s23] =	ssyncset.done $0x0  }
0xa4: {  	s25 =	simm.s32 $0x1B8E;
	s24 =	sld [smem:$0x3FFE];
	[sflag:s23] =	ssyncadd.s32 $0xFFFFFFFF  }
0xa5: {  	s26 =	simm.s32 $execute0_lowered;
	[smem:$0x3FD2] =	sst s25  }
0xa6: {  	s5 =	sshll.u32 s26, $0x1;
	_ =	strace $0x80000046;
	[dreg:$0x1] =	wrdreg $0xFFFFFFFF  }
0xa7: {  	s28 =	simm.s32 $_size_execute0_lowered;
	s3 =	sadd.s32 s3, s5;
	[dreg:$0x0] =	wrdreg $0x0  }
0xa8: {  	s5 =	sshll.u32 s28, $0x1;
	[dreg:$0x2] =	wrdreg s3  }
0xa9: {  	[dreg:$0x3] =	wrdreg s5  }
0xaa: {  	[dreg:$0x4] =	wrdreg $0xC0  }
0xab: {  	_ =	task [dreg:s7], $0x5FFFF  }
0xac: {  	[dreg:$0x1] =	wrdreg $0xFFFFFFFF  }
0xad: {  	[dreg:$0x0] =	wrdreg $0x60  }
0xae: {  	[dreg:$0x2] =	wrdreg s2  }
0xaf: {  	[dreg:$0x3] =	wrdreg s24  }
0xb0: {  	[dreg:$0x4] =	wrdreg $0x9  }
0xb1: {  	_ =	task.clear_ibuf [dreg:s7], $0x5FFFF;
	_ =	strace $0x90000046  }
0xb2: {  	s29 =	simm.s32 $0x9;
	_ =	strace $0x80000048  }
0xb3: {  	_ =	swait.ge [sflag:s29], $0x1  }
0xb4: {  	[sflag:s29] =	ssyncadd.s32 $0xFFFFFFFF  }
0xb5: {  	_ =	strace $0x90000048  }
0xb6: {  	_ =	sfence  }
0xb7: {  	s30 =	sld [smem:$0x0];
	_ =	sdelay $0x2  }
0xb8: {  	s31 =	sshll.u32 s1, $0xD;
	s1 =	sshrl.u32 s1, $0x2  }
0xb9: {  	s3 =	sand.u32 $0x4000, s31;
	s1 =	sadd.s32 s1, s30  }
0xba: {  	s0 =	sor.u32 s3, s0;
	s1 =	sshll.u32 s1, $0x11  }
0xbb: {  	s0 =	sor.u32 s1, s0  }
0xbc: {  	s0 =	sadd.s32 $0x8F2B, s0  }
0xbd: {  	[sflag:s0] =	ssyncadd.remote.s32 $0x1  }
0xbe: {  	_ =	sfence.sel $0xFFFF  }
0xbf: {  	[dreg:$0x0] =	wrdreg $0xFFFFFFFF;
	(pc) =	sbr.abs _section_cstart, $3  }
0xc0: {  	[dreg:$0x1] =	wrdreg $0xFFFFFFFF  }
0xc1: {  	_ =	task.clear_ibuf [dreg:s7], $0x2FFFF;
	_ =	strace $0x9FFFFFFF  }
0xc2: {  	(tm) =	ssettm $0x7FFFFFFF  }
0xc3: {  	_ =	shalt  }
tec
execute0_lowered:
.L_overlay_start_1:
0x0: {  	(tag) =	ssettag $0x1  }
0x1: {  	s0 =	srdreg.scid  }
0x2: {  	s3 =	sand.u32 $0x1, s0  }
0x3: {  	s4 =	rddreg [dreg:$0x0];
	s0 =	stileid.u32;
	s1 =	sshll.u32 s3, $0x4  }
0x4: {  	s5 =	rddreg [dreg:$0x1];
	s2 =	simm.s32 $0x0;
	s6 =	sor.u32 s0, s1  }
0x5: {  	s9 =	simm.s32 $0x400;
	[smem:$0x7FF] =	sst s2;
	s7 =	sshrl.u32 s6, $0x3  }
0x6: {  	s8 =	sshll.u32 s0, $0x7;
	s3 =	ssub.s32 $0x2, s3;
	s7 =	smul.u32 $0x13C00, s7  }
0x7: {  	s1 =	rddreg [dreg:$0x2];
	s8 =	sand.u32 $0x380, s8;
	s6 =	smul.u32 $0x9C4, s6  }
0x8: {  	_ =	strace $0x80000047;
	s30 =	sshrl.u32 s3, $0x1;
	s7 =	sor.u32 s8, s7  }
0x9: {  	s31 =	ssub.s32 s3, s30;
	s3 =	sadd.s32 s4, s6;
	s7 =	sshrl.u32 s7, $0x3  }
0xa: {  	s6 =	simm.s32 $0x1;
	s8 =	simm.s32 $0x80;
	s5 =	sadd.s32 s7, s5  }
0xb: {  	v0 =	vimm.f32 $0.0e+00;
	v1 =	vimm.f32 $1.000000000e+00;
	s7 =	simm.s32 $0x4E80;
	s4 =	sadd.s32 $0x1C00, s5;
	s5 =	smax.u32 s31, $0x1  }
.LBB2_1:
0xc: {  	s10 =	simm.s32 $0x40;
	s11 =	simm.s32 $0x0  }
.LBB2_2:
0xd: {  	p0 =	sne.s32 s10, $0x9C00;
	[tilespmem:s11+$0x4E80] =	vst v0;
	s11 =	smov.u32 s10;
	s10 =	sadd.s32 $0x40, s10  }
.Ltmp0:
0xe: {  	(pc) =	sbr.rel @p0 .LBB2_2-.Ltmp0, $2  }
0xf: {  	_ =	sdelay $0x2  }
0x10: {  	s11 =	sshra.s32 s11, $0x2  }
0x11: {  	[tilespmem:s11+$0x4E80] =	vst v0;
	s10 =	simm.s32 $0x0  }
0x12: {  	[tilespmem:s10], [sflag:$0x1] =	stream.linear.gather [hbm4b:s3+s10], $0x4E20, $0x38;
	[tilespmem:$0x7600] =	vst v63  }
0x13: {  	_ =	swait.ge [sflag:s6], $0x4E20  }
0x14: {  	[sflag:s6] =	ssyncset.done $0x0  }
0x15: {  	s11 =	simm.s32 $0x0;
	s10 =	simm.s32 $0x40;
	[sflag:s6] =	ssyncadd.s32 $0xFFFFB1E0  }
.LBB2_4:
0x16: {  	p0 =	sne.s32 s10, $0x13840;
	v2 =	vld [tilespmem:s11+$0x0];
	_ =	sdelay $0x3  }
.Ltmp1:
0x17: {  	(pc) =	sbr.rel @p0 .LBB2_4-.Ltmp1, $2  }
0x18: {  	_ =	sdelay $0x2  }
0x19: {  	s11 =	sshra.s32 s10, $0x2;
	s10 =	sadd.s32 $0x40, s10;
	[tilespmem:v2+s7+$0x0] =	vst.idx.add.f32.msk $0xffff, v1  }
0x1a: {  	v2 =	vld [tilespmem:s11+$0x0];
	_ =	sdelay $0x5  }
0x1b: {  	s2 =	sadd.s32 $0x1, s2  }
0x1c: {  	p0 =	sne.s32 s2, s5  }
.Ltmp2:
0x1d: {  	[tilespmem:v2+s7+$0x0] =	vst.idx.add.f32.msk $0xffff, v1;
	(pc) =	sbr.rel @p0 .LBB2_1-.Ltmp2, $4  }
0x1e: {  	[hbm4b:s4+s8] =	stream.strided.scatter [tilespmem:s7], [sflag:$0x1], $0x2780, s9, s8, $0x38;
	[tilespmem:$0x7600] =	vst v63  }
0x1f: {  	_ =	swait.ge [sflag:s6], $0x2780  }
0x20: {  	[sflag:s6] =	ssyncset.done $0x0  }
0x21: {  	[sflag:s6] =	ssyncadd.s32 $0xFFFFD880  }
0x22: {  	_ =	sfence.sel $0x180000  }
0x23: {  	[bflag:$0x0] =	sbarrier.arrive $0xFFFF  }
0x24: {  	p0 =	sne.s32 s0, $0x0;
	_ =	strace $0x90000047  }
0x25: {  	s0 =	sadd.s32 @!p0 $0x100000, s1;
	[bflag:$0x2] =	sbarrier.arrive $0xFFFF  }
0x26: {  	[sflag:s0] =	ssyncadd.tile.s32 @!p0 $0x1;
	_ =	shalt  }
.Lfunc_end2:
_tile_overlayer_lowered:
.L_overlay_start_2:
0x27: {  	(tag) =	ssettag $0x2  }
0x28: {  	s0 =	rddreg [dreg:$0x0];
	s2 =	stileid.u32  }
0x29: {  	s1 =	rddreg [dreg:$0x1];
	p0 =	sne.s32 s2, $0x0  }
0x2a: {  	s3 =	rddreg [dreg:$0x2];
	[bflag:$0x3] =	sbarrier.arrive $0xFFFF;
	s2 =	simm.s32 @!p0 $0x1C01  }
0x2b: {  	[timem:s3], [sflag:s2] =	dma.local @!p0 [hbm:s0], s1  }
0x2c: {  	s0 =	simm.s32 @!p0 $0x1  }
0x2d: {  	_ =	swait.ge @!p0 [sflag:s0], s1  }
0x2e: {  	s1 =	ssub.s32 @!p0 $0x0, s1;
	[sflag:s0] =	ssyncset.done @!p0 $0x0  }
0x2f: {  	[sflag:s0] =	ssyncadd.s32 @!p0 s1  }
0x30: {  	[bflag:$0x3] =	sbarrier.arrive $0xFFFF  }
0x31: {  	_ =	shalt  }

// kernel: kernel.9.cloned.1.call-start
scs
__scs_entry_jumppad:
0x0: {  	(pc) =	sbr.rel $0x88, $3  }
0x1: {  	(tag) =	ssettag $0x0;
	lr =	simm.s32 $0x1  }
0x2: {  	[smem:$0x3F9D] =	sst lr;
	_ =	strace $0xD0000000  }
0x3: {  	_ = 	snop  }
0x4: {  	_ = 	snop  }
0x5: {  	_ = 	snop  }
0x6: {  	_ = 	snop  }
0x7: {  	_ = 	snop  }
__scs_overlays_trampoline_lowered:
0x8: {  	[smem:$0x3FAC] =	sst s0  }
0x9: {  	[smem:$0x3FAD] =	sst s1  }
0xa: {  	[smem:$0x3FAE] =	sst s2  }
0xb: {  	[smem:$0x3FAF] =	sst s3  }
0xc: {  	[smem:$0x3FB0] =	sst s4  }
0xd: {  	[smem:$0x3FB1] =	sst s5  }
0xe: {  	[smem:$0x3FB2] =	sst s6  }
0xf: {  	[smem:$0x3FB3] =	sst s7  }
0x10: {  	[smem:$0x3FB4] =	sst s8  }
0x11: {  	[smem:$0x3FB5] =	sst s9;
	s0 =	simm.s32 @!p0 $0x0  }
0x12: {  	s1 =	sld [smem:$0x3F9B];
	s0 =	simm.s32 @p0 $0x1  }
0x13: {  	[smem:$0x3FB6] =	sst s0;
	s0 =	simm.s32 @!p1 $0x0  }
0x14: {  	s2 =	sld [smem:$0x3F9A];
	s0 =	simm.s32 @p1 $0x1  }
0x15: {  	[smem:$0x3FB7] =	sst s0;
	s0 =	simm.s32 @!p2 $0x0  }
0x16: {  	s3 =	sld [smem:$0x3FDB];
	s0 =	simm.s32 @p2 $0x1  }
0x17: {  	s4 =	simm.s32 $0x1BF5;
	[smem:$0x3FB9] =	sst s0  }
0x18: {  	s0 =	sld [smem:$0x3F9C];
	_ =	swait.ge [sflag:s4], $0x0  }
0x19: {  	s7 =	sld [smem:$0x3F9D]  }
0x1a: {  	s8 =	sadd.s32 $0xFFFFE003, lr  }
0x1b: {  	s9 =	sadd.s32 $0xFFFFFEF7, lr;
	s5 =	simm.s32 $0xFFFFFFFF;
	p2 =	slt.u32 s8, $0xFFFFF086  }
0x1c: {  	p1 =	slt.u32 s9, $0xF7A;
	s5 =	simm.s32 @!p2 $0x0  }
0x1d: {  	s5 =	simm.s32 @p1 $0x1;
	p0 =	seq.s32 s7, s2  }
0x1e: {  	s7 =	smul.u32 @!p0 $0xF7A, s2;
	p2 =	seq.s32 @!p0 s5, $0x0  }
0x1f: {  	s9 =	smul.u32 $0xF7A, s1;
	s8 =	simm.s32 @!p0 $0x1BF5;
	p2 =	por !p2, p0  }
0x20: {  	[sflag:s8] =	ssyncset.s32 @!p0 $0xFFFFF086;
	s6 =	sadd.s32 @!p0 s3, s7;
	s7 =	simm.s32 @!p0 $0x108  }
0x21: {  	s3 =	sadd.s32 s3, s9;
	s6 =	sadd.s32 @!p0 $0x88, s6;
	s7 =	simm.s32 @p2 $0x1082  }
0x22: {  	[simem:s7], [sflag:s8] =	dma.local @!p0 [hbm:s6], $0xF7A  }
0x23: {  	s9 =	sor.u32 $0xD0000000, s2;
	s6 =	simm.s32 $0x108;
	_ =	swait.ge @!p0 [sflag:s8], $0x0  }
0x24: {  	s3 =	sadd.s32 $0x88, s3;
	s6 =	simm.s32 @!p1 $0x1082;
	[sflag:s4] =	ssyncset.s32 $0xFFFFF086  }
0x25: {  	[simem:s6], [sflag:s4] =	dma.local [hbm:s3], $0xF7A  }
0x26: {  	[smem:$0x3F9D] =	sst s1;
	(tag) =	ssettag s2;
	_ =	strace s9  }
0x27: {  	s1 =	sld [smem:$0x3FAD]  }
0x28: {  	s2 =	sld [smem:$0x3FAE]  }
0x29: {  	s4 =	sld [smem:$0x3FB0]  }
0x2a: {  	p0 =	seq.s32 s5, $0x0;
	s5 =	sld [smem:$0x3FB1]  }
0x2b: {  	s6 =	sld [smem:$0x3FB2]  }
0x2c: {  	s7 =	sld [smem:$0x3FB3]  }
0x2d: {  	s3 =	simm.s32 $0x108;
	s8 =	sld [smem:$0x3FB4]  }
0x2e: {  	s3 =	simm.s32 @!p0 $0x1082;
	s9 =	sld [smem:$0x3FB5]  }
0x2f: {  	lr =	sadd.s32 s0, s3;
	s0 =	sld [smem:$0x3FAC]  }
0x30: {  	s3 =	sld [smem:$0x3FAF]  }
0x31: {  	[smem:$0x3FB8] =	sst s10  }
0x32: {  	s10 =	sld [smem:$0x3FB6];
	_ =	sdelay $0x3  }
0x33: {  	p0 =	seq.s32 s10, $0x1;
	s10 =	sld [smem:$0x3FB8];
	_ =	sdelay $0x3  }
0x34: {  	[smem:$0x3FB8] =	sst s10  }
0x35: {  	s10 =	sld [smem:$0x3FB7];
	_ =	sdelay $0x3  }
0x36: {  	p1 =	seq.s32 s10, $0x1;
	s10 =	sld [smem:$0x3FB8];
	_ =	sdelay $0x3  }
0x37: {  	[smem:$0x3FB8] =	sst s10  }
0x38: {  	s10 =	sld [smem:$0x3FB9]  }
0x39: {  	_ = 	snop;
	(pc) =	sbr.ind lr, $3  }
0x3a: {  	_ = 	snop  }
0x3b: {  	_ = 	snop  }
0x3c: {  	p2 =	seq.s32 s10, $0x1;
	s10 =	sld [smem:$0x3FB8]  }
0x3d: {  	_ =	shalt  }
0x3e: {  	_ =	shalt  }
0x3f: {  	_ =	shalt  }
0x40: {  	_ =	shalt  }
0x41: {  	_ =	shalt  }
0x42: {  	_ =	shalt  }
0x43: {  	_ =	shalt  }
0x44: {  	_ =	shalt  }
0x45: {  	_ =	shalt  }
0x46: {  	_ =	shalt  }
0x47: {  	_ =	shalt  }
0x48: {  	_ =	shalt  }
0x49: {  	_ =	shalt  }
0x4a: {  	_ =	shalt  }
0x4b: {  	_ =	shalt  }
0x4c: {  	_ =	shalt  }
0x4d: {  	_ =	shalt  }
0x4e: {  	_ =	shalt  }
0x4f: {  	_ =	shalt  }
0x50: {  	_ =	shalt  }
0x51: {  	_ =	shalt  }
0x52: {  	_ =	shalt  }
0x53: {  	_ =	shalt  }
0x54: {  	_ =	shalt  }
0x55: {  	_ =	shalt  }
0x56: {  	_ =	shalt  }
0x57: {  	_ =	shalt  }
0x58: {  	_ =	shalt  }
0x59: {  	_ =	shalt  }
0x5a: {  	_ =	shalt  }
0x5b: {  	_ =	shalt  }
0x5c: {  	_ =	shalt  }
0x5d: {  	_ =	shalt  }
0x5e: {  	_ =	shalt  }
0x5f: {  	_ =	shalt  }
0x60: {  	_ =	shalt  }
0x61: {  	_ =	shalt  }
0x62: {  	_ =	shalt  }
0x63: {  	_ =	shalt  }
0x64: {  	_ =	shalt  }
0x65: {  	_ =	shalt  }
0x66: {  	_ =	shalt  }
0x67: {  	_ =	shalt  }
0x68: {  	_ =	shalt  }
0x69: {  	_ =	shalt  }
0x6a: {  	_ =	shalt  }
0x6b: {  	_ =	shalt  }
0x6c: {  	_ =	shalt  }
0x6d: {  	_ =	shalt  }
0x6e: {  	_ =	shalt  }
0x6f: {  	_ =	shalt  }
0x70: {  	_ =	shalt  }
0x71: {  	_ =	shalt  }
0x72: {  	_ =	shalt  }
0x73: {  	_ =	shalt  }
0x74: {  	_ =	shalt  }
0x75: {  	_ =	shalt  }
0x76: {  	_ =	shalt  }
0x77: {  	_ =	shalt  }
0x78: {  	_ =	shalt  }
0x79: {  	_ =	shalt  }
0x7a: {  	_ =	shalt  }
0x7b: {  	_ =	shalt  }
0x7c: {  	_ =	shalt  }
0x7d: {  	_ =	shalt  }
0x7e: {  	_ =	shalt  }
0x7f: {  	_ =	shalt  }
0x80: {  	_ =	shalt  }
0x81: {  	_ =	shalt  }
0x82: {  	_ =	shalt  }
0x83: {  	_ =	shalt  }
0x84: {  	_ =	shalt  }
0x85: {  	_ =	shalt  }
0x86: {  	_ =	shalt  }
0x87: {  	_ =	shalt  }
.Lfunc_end0:
.L_simem_size_0:
called_computation.1_lowered:
.L_overlay_start_0:
0x88: {  	s2 =	sld [smem:$0x3FD9]  }
0x89: {  	s3 =	sld [smem:$0x3FFE];
	_ =	sdelay $0x1  }
0x8a: {  	s1 =	srdreg.scid  }
0x8b: {  	s0 =	sand.u32 $0x1, s1  }
0x8c: {  	s17 =	sshll.u32 s0, $0xA;
	s2 =	sadd.s32 s3, s2  }
0x8d: {  	s2 =	sadd.s32 s2, s17  }
0x8e: {  	[smem:$0x3FC4] =	sst s2  }
0x8f: {  	_ = 	snop  }
0x90: {  	s2 =	sld [smem:$0x3FD0];
	(tm) =	ssettm $0x1  }
0x91: {  	s18 =	sld [smem:$0x3FFB];
	_ =	sdelay $0x3  }
0x92: {  	_ =	strace s18  }
0x93: {  	s3 =	sld [smem:$0x3FFC];
	_ =	sdelay $0x3  }
0x94: {  	_ =	strace s3  }
0x95: {  	s3 =	sld [smem:$0x3FFD];
	_ =	sdelay $0x3  }
0x96: {  	_ =	strace s3  }
0x97: {  	_ =	strace $0x8FFFFFFF  }
0x98: {  	s19 =	sld [smem:$0x3FDB];
	_ =	sdelay $0x1  }
0x99: {  	s4 =	simm.s32 $_scs_section_size  }
0x9a: {  	s5 =	simm.s32 $_size__tile_overlayer_lowered;
	s6 =	simm.s32 $_tile_overlayer_lowered  }
0x9b: {  	s22 =	simm.s32 $0x1BFF;
	s21 =	sshll.u32 s6, $0x1;
	s3 =	sadd.s32 s4, s19  }
0x9c: {  	s7 =	simm.s32 $0x0;
	s20 =	sshll.u32 s5, $0x1;
	s5 =	sadd.s32 s21, s3  }
0x9d: {  	[timem:s7], [sflag:s22] =	dma.local [hbm:s5], s20  }
0x9e: {  	_ =	swait.ge [sflag:s22], s20  }
0x9f: {  	s4 =	ssub.s32 $0x0, s20;
	[sflag:s22] =	ssyncset.done $0x0  }
0xa0: {  	[sflag:s22] =	ssyncadd.s32 s4;
	_ =	sdelay $0x1  }
0xa1: {  	s23 =	simm.s32 $0x1B8B  }
0xa2: {  	_ =	swait.ge [sflag:s23], $0x1  }
0xa3: {  	[sflag:s23] =	ssyncset.done $0x0  }
0xa4: {  	s25 =	simm.s32 $0x1B8E;
	s24 =	sld [smem:$0x3FFE];
	[sflag:s23] =	ssyncadd.s32 $0xFFFFFFFF  }
0xa5: {  	s26 =	simm.s32 $execute0_lowered;
	[smem:$0x3FD2] =	sst s25  }
0xa6: {  	s5 =	sshll.u32 s26, $0x1;
	_ =	strace $0x80000049;
	[dreg:$0x1] =	wrdreg $0xFFFFFFFF  }
0xa7: {  	s28 =	simm.s32 $_size_execute0_lowered;
	s3 =	sadd.s32 s3, s5;
	[dreg:$0x0] =	wrdreg $0x0  }
0xa8: {  	s5 =	sshll.u32 s28, $0x1;
	[dreg:$0x2] =	wrdreg s3  }
0xa9: {  	[dreg:$0x3] =	wrdreg s5  }
0xaa: {  	[dreg:$0x4] =	wrdreg $0xC0  }
0xab: {  	_ =	task [dreg:s7], $0x5FFFF  }
0xac: {  	[dreg:$0x1] =	wrdreg $0xFFFFFFFF  }
0xad: {  	[dreg:$0x0] =	wrdreg $0x60  }
0xae: {  	[dreg:$0x2] =	wrdreg s2  }
0xaf: {  	[dreg:$0x3] =	wrdreg s24  }
0xb0: {  	[dreg:$0x4] =	wrdreg $0xA3000  }
0xb1: {  	[dreg:$0x5] =	wrdreg $0x9  }
0xb2: {  	_ =	task.clear_ibuf [dreg:s7], $0x6FFFF;
	_ =	strace $0x90000049  }
0xb3: {  	s29 =	simm.s32 $0x9;
	_ =	strace $0x8000004B  }
0xb4: {  	_ =	swait.ge [sflag:s29], $0x1  }
0xb5: {  	[sflag:s29] =	ssyncadd.s32 $0xFFFFFFFF  }
0xb6: {  	_ =	strace $0x9000004B  }
0xb7: {  	_ =	sfence  }
0xb8: {  	s30 =	sld [smem:$0x0];
	_ =	sdelay $0x2  }
0xb9: {  	s31 =	sshll.u32 s1, $0xD;
	s1 =	sshrl.u32 s1, $0x2  }
0xba: {  	s3 =	sand.u32 $0x4000, s31;
	s1 =	sadd.s32 s1, s30  }
0xbb: {  	s0 =	sor.u32 s3, s0;
	s1 =	sshll.u32 s1, $0x11  }
0xbc: {  	s0 =	sor.u32 s1, s0  }
0xbd: {  	s0 =	sadd.s32 $0x8F2B, s0  }
0xbe: {  	[sflag:s0] =	ssyncadd.remote.s32 $0x1  }
0xbf: {  	_ =	sfence.sel $0xFFFF  }
0xc0: {  	[dreg:$0x0] =	wrdreg $0xFFFFFFFF;
	(pc) =	sbr.abs _section_cstart, $3  }
0xc1: {  	[dreg:$0x1] =	wrdreg $0xFFFFFFFF  }
0xc2: {  	_ =	task.clear_ibuf [dreg:s7], $0x2FFFF;
	_ =	strace $0x9FFFFFFF  }
0xc3: {  	(tm) =	ssettm $0x7FFFFFFF  }
tec
execute0_lowered:
.L_overlay_start_1:
0x0: {  	(tag) =	ssettag $0x1  }
0x1: {  	s1 =	rddreg [dreg:$0x0]  }
0x2: {  	s0 =	srdreg.scid;
	s4 =	rddreg [dreg:$0x1]  }
0x3: {  	s19 =	stileid.u32;
	s2 =	simm.s32 $0x0;
	s29 =	simm.s32 $0x6  }
0x4: {  	s30 =	simm.s32 $0x0;
	s3 =	sand.u32 $0x1, s0;
	s6 =	smul.u32 $0x14000, s19  }
0x5: {  	[smem:$0x7FF] =	sst s2;
	s7 =	sadd.s32 $0x33200, s4;
	s4 =	sadd.s32 $0xBA00, s4  }
0x6: {  	s0 =	ssub.s32 $0x2, s3;
	s9 =	smul.u32 $0x140000, s3;
	s3 =	sshll.u32 s3, $0x9  }
0x7: {  	s5 =	sshrl.u32 s0, $0x1;
	s8 =	sadd.s32 $0x4000, s6;
	s10 =	sadd.s32 $0x6000, s6  }
0x8: {  	s11 =	sadd.s32 $0x8000, s6;
	s12 =	sadd.s32 $0xA000, s6;
	s13 =	sadd.s32 $0xC000, s6  }
0x9: {  	s14 =	sadd.s32 $0xE000, s6;
	s17 =	sadd.s32 $0x10000, s6;
	s0 =	ssub.s32 s0, s5  }
0xa: {  	s5 =	sor.u32 $0x2000, s6;
	s15 =	sadd.s32 s6, s9;
	s6 =	sadd.s32 $0x12000, s6  }
0xb: {  	s16 =	sadd.s32 s9, s8;
	s18 =	sadd.s32 s9, s10;
	s25 =	sadd.s32 s9, s11  }
0xc: {  	s26 =	sadd.s32 s9, s12;
	s31 =	sadd.s32 s9, s13;
	s15 =	sshrl.u32 s15, $0x3  }
0xd: {  	s21 =	sadd.s32 s9, s5;
	s22 =	sshrl.u32 s16, $0x3;
	s23 =	sshrl.u32 s18, $0x3  }
0xe: {  	s16 =	sshrl.u32 s26, $0x3;
	s20 =	sshrl.u32 s31, $0x3;
	s15 =	sadd.s32 s7, s15  }
0xf: {  	s26 =	smul.u32 $0x50000, s19;
	s24 =	sadd.s32 s7, s23;
	[dreg:$0x4] =	wrdreg s15  }
0x10: {  	s15 =	sshrl.u32 s21, $0x3;
	[dreg:$0x7] =	wrdreg s24;
	s21 =	sadd.s32 s7, s20  }
0x11: {  	s0 =	smax.u32 s0, $0x1;
	s15 =	sadd.s32 s7, s15;
	[dreg:$0xa] =	wrdreg s21  }
0x12: {  	s23 =	sadd.s32 s9, s17;
	[dreg:$0x5] =	wrdreg s15;
	s15 =	sadd.s32 s7, s22  }
0x13: {  	s24 =	sshrl.u32 s23, $0x3;
	[dreg:$0x6] =	wrdreg s15;
	s15 =	sshrl.u32 s25, $0x3  }
0x14: {  	s22 =	sadd.s32 s9, s14;
	s9 =	sadd.s32 s9, s6;
	s15 =	sadd.s32 s7, s15  }
0x15: {  	s9 =	sshrl.u32 s9, $0x3;
	[dreg:$0x8] =	wrdreg s15;
	s15 =	sadd.s32 s7, s16  }
0x16: {  	s25 =	sshll.u32 s19, $0x5;
	[dreg:$0x9] =	wrdreg s15;
	s15 =	sshrl.u32 s22, $0x3  }
0x17: {  	s31 =	sor.u32 s25, s3;
	s3 =	sadd.s32 s3, s4;
	s15 =	sadd.s32 s7, s15  }
0x18: {  	s28 =	sadd.s32 s4, s31;
	[dreg:$0xb] =	wrdreg s15;
	s15 =	sadd.s32 s7, s24  }
0x19: {  	s16 =	sadd.s32 s25, s3;
	s7 =	sadd.s32 s7, s9;
	[dreg:$0xc] =	wrdreg s15  }
0x1a: {  	s4 =	simm.s32 $0x80;
	s31 =	sadd.s32 $0x27400, s28;
	[dreg:$0xd] =	wrdreg s7  }
0x1b: {  	s9 =	sshrl.u32 s26, $0x2;
	s15 =	rddreg [dreg:$0x2];
	s7 =	simm.s32 $0x2  }
0x1c: {  	_ =	strace $0x8000004A;
	s3 =	sadd.s32 s9, s15;
	s18 =	sadd.s32 s5, s15  }
0x1d: {  	s19 =	sadd.s32 s8, s15;
	s20 =	sadd.s32 s10, s15;
	s21 =	sadd.s32 s11, s15  }
0x1e: {  	s22 =	sadd.s32 s12, s15;
	s23 =	sadd.s32 s13, s15;
	s24 =	sadd.s32 s14, s15  }
0x1f: {  	s25 =	sadd.s32 s17, s15;
	s26 =	sadd.s32 s6, s15;
	[dreg:$0x10] =	wrdreg s0  }
0x20: {  	s14 =	sadd.s32 $0x400, s28;
	s17 =	sadd.s32 $0x800, s28;
	[dreg:$0xe] =	wrdreg s28  }
0x21: {  	[dreg:$0x13] =	wrdreg s31;
	s13 =	simm.s32 $0x8300;
	s0 =	simm.s32 $0x7  }
0x22: {  	s5 =	simm.s32 $0x300;
	s6 =	simm.s32 $0x100;
	s8 =	simm.s32 $0x4300  }
0x23: {  	s9 =	simm.s32 $0x3;
	s10 =	simm.s32 $0x200;
	[dreg:$0xf] =	wrdreg s3  }
0x24: {  	s11 =	simm.s32 $0x5;
	s12 =	simm.s32 $0x4;
	[dreg:$0x11] =	wrdreg s14  }
0x25: {  	v0 =	vimm.f32 $0.0e+00;
	s28 =	simm.s32 $0x280;
	[dreg:$0x12] =	wrdreg s17;
	s3 =	simm.s32 $0x1  }
.LBB2_1:
0x26: {  	s14 =	simm.s32 $0x10;
	s17 =	sand.u32 $0x1FF0, s2  }
.LBB2_2:
0x27: {  	p0 =	sne.s32 s14, $0x1FF0;
	[tilespmem:s17+$0x8300] =	vst v0;
	s17 =	smov.u32 s14;
	s14 =	sadd.s32 $0x10, s14  }
.Ltmp0:
0x28: {  	(pc) =	sbr.rel @p0 .LBB2_2-.Ltmp0, $2  }
0x29: {  	_ =	sdelay $0x2  }
0x2a: {  	s17 =	sand.u32 $0x1FF0, s17  }
0x2b: {  	[tilespmem:s17+$0x8300] =	vst v0;
	s14 =	rddreg [dreg:$0xf]  }
0x2c: {  	[spmem:s14] =	stream.linear.scatter [tilespmem:s13], [sflag:$0x7], $0x2000, $0x38;
	[tilespmem:$0x1E300] =	vst v63  }
0x2d: {  	_ = 	snop  }
0x2e: {  	[spmem:s18] =	stream.linear.scatter [tilespmem:s13], [sflag:$0x7], $0x2000, $0x38;
	[tilespmem:$0x1E300] =	vst v63  }
0x2f: {  	_ = 	snop  }
0x30: {  	[spmem:s19] =	stream.linear.scatter [tilespmem:s13], [sflag:$0x7], $0x2000, $0x38;
	[tilespmem:$0x1E300] =	vst v63  }
0x31: {  	_ = 	snop  }
0x32: {  	[spmem:s20] =	stream.linear.scatter [tilespmem:s13], [sflag:$0x7], $0x2000, $0x38;
	[tilespmem:$0x1E300] =	vst v63  }
0x33: {  	_ = 	snop  }
0x34: {  	[spmem:s21] =	stream.linear.scatter [tilespmem:s13], [sflag:$0x7], $0x2000, $0x38;
	[tilespmem:$0x1E300] =	vst v63  }
0x35: {  	_ = 	snop  }
0x36: {  	[spmem:s22] =	stream.linear.scatter [tilespmem:s13], [sflag:$0x7], $0x2000, $0x38;
	[tilespmem:$0x1E300] =	vst v63  }
0x37: {  	_ = 	snop  }
0x38: {  	[spmem:s23] =	stream.linear.scatter [tilespmem:s13], [sflag:$0x7], $0x2000, $0x38;
	[tilespmem:$0x1E300] =	vst v63  }
0x39: {  	_ = 	snop  }
0x3a: {  	[spmem:s24] =	stream.linear.scatter [tilespmem:s13], [sflag:$0x7], $0x2000, $0x38;
	[tilespmem:$0x1E300] =	vst v63  }
0x3b: {  	_ = 	snop  }
0x3c: {  	[spmem:s25] =	stream.linear.scatter [tilespmem:s13], [sflag:$0x7], $0x2000, $0x38;
	[tilespmem:$0x1E300] =	vst v63  }
0x3d: {  	_ = 	snop  }
0x3e: {  	[spmem:s26] =	stream.linear.scatter [tilespmem:s13], [sflag:$0x7], $0x2000, $0x38;
	[tilespmem:$0x1E300] =	vst v63  }
0x3f: {  	_ =	swait.ge [sflag:s0], $0x2000  }
0x40: {  	[sflag:s0] =	ssyncset.done $0x0  }
0x41: {  	[sflag:s0] =	ssyncadd.s32 $0xFFFFE000  }
0x42: {  	_ =	swait.ge [sflag:s0], $0x2000  }
0x43: {  	[sflag:s0] =	ssyncset.done $0x0  }
0x44: {  	[sflag:s0] =	ssyncadd.s32 $0xFFFFE000  }
0x45: {  	_ =	swait.ge [sflag:s0], $0x2000  }
0x46: {  	[sflag:s0] =	ssyncset.done $0x0  }
0x47: {  	[sflag:s0] =	ssyncadd.s32 $0xFFFFE000  }
0x48: {  	_ =	swait.ge [sflag:s0], $0x2000  }
0x49: {  	[sflag:s0] =	ssyncset.done $0x0  }
0x4a: {  	[sflag:s0] =	ssyncadd.s32 $0xFFFFE000  }
0x4b: {  	_ =	swait.ge [sflag:s0], $0x2000  }
0x4c: {  	[sflag:s0] =	ssyncset.done $0x0  }
0x4d: {  	[sflag:s0] =	ssyncadd.s32 $0xFFFFE000  }
0x4e: {  	_ =	swait.ge [sflag:s0], $0x2000  }
0x4f: {  	[sflag:s0] =	ssyncset.done $0x0  }
0x50: {  	[sflag:s0] =	ssyncadd.s32 $0xFFFFE000  }
0x51: {  	_ =	swait.ge [sflag:s0], $0x2000  }
0x52: {  	[sflag:s0] =	ssyncset.done $0x0  }
0x53: {  	[sflag:s0] =	ssyncadd.s32 $0xFFFFE000  }
0x54: {  	_ =	swait.ge [sflag:s0], $0x2000  }
0x55: {  	[sflag:s0] =	ssyncset.done $0x0  }
0x56: {  	[sflag:s0] =	ssyncadd.s32 $0xFFFFE000  }
0x57: {  	_ =	swait.ge [sflag:s0], $0x2000  }
0x58: {  	[sflag:s0] =	ssyncset.done $0x0  }
0x59: {  	[sflag:s0] =	ssyncadd.s32 $0xFFFFE000  }
0x5a: {  	_ =	swait.ge [sflag:s0], $0x2000  }
0x5b: {  	[sflag:s0] =	ssyncset.done $0x0  }
0x5c: {  	[sflag:s0] =	ssyncadd.s32 $0xFFFFE000  }
0x5d: {  	[bflag:$0x0] =	sbarrier.arrive $0xFFFF  }
0x5e: {  	s17 =	rddreg [dreg:$0xe]  }
0x5f: {  	[tilespmem:s2], [sflag:$0x1] =	stream.linear.gather [hbm4b:s17+s2], $0x100, $0x38;
	[tilespmem:$0x1E300] =	vst v63  }
0x60: {  	_ =	swait.ge [sflag:s3], $0x100  }
0x61: {  	[sflag:s3] =	ssyncset.done $0x0  }
0x62: {  	[sflag:s3] =	ssyncadd.s32 $0xFFFFFF00  }
0x63: {  	[tilespmem:s5], [sflag:$0x3] =	stream.indirect.gather [hbm4b:s1+s4], $0x80, s2, s4, $0xb8;
	[tilespmem:$0x1E300] =	vst v63  }
0x64: {  	s17 =	rddreg [dreg:$0x11]  }
0x65: {  	[tilespmem:s6], [sflag:$0x2] =	stream.linear.gather [hbm4b:s17+s2], $0x100, $0x38;
	[tilespmem:$0x1E300] =	vst v63  }
0x66: {  	_ =	swait.ge [sflag:s7], $0x100  }
0x67: {  	[sflag:s7] =	ssyncset.done $0x0  }
0x68: {  	[sflag:s7] =	ssyncadd.s32 $0xFFFFFF00  }
0x69: {  	[tilespmem:s8], [sflag:$0x4] =	stream.indirect.gather [hbm4b:s1+s4], $0x80, s6, s4, $0xb8;
	[tilespmem:$0x1E300] =	vst v63  }
0x6a: {  	_ =	swait.ge [sflag:s9], $0x4000  }
0x6b: {  	[sflag:s9] =	ssyncset.done $0x0  }
0x6c: {  	[sflag:s9] =	ssyncadd.s32 $0xFFFFC000  }
0x6d: {  	v1 =	vld [tilespmem:$0x80]  }
0x6e: {  	v2 =	vld [tilespmem:$0x90]  }
0x6f: {  	v3 =	vld [tilespmem:$0xA0]  }
0x70: {  	v4 =	vld [tilespmem:$0xB0]  }
0x71: {  	v5 =	vld [tilespmem:$0xC0]  }
0x72: {  	[tilespmem:$0x200] =	vst v1;
	v1 =	vld [tilespmem:$0xD0]  }
0x73: {  	[tilespmem:$0x210] =	vst v2;
	v2 =	vld [tilespmem:$0xE0]  }
0x74: {  	[tilespmem:$0x220] =	vst v3;
	v3 =	vld [tilespmem:$0xF0]  }
0x75: {  	[tilespmem:$0x230] =	vst v4  }
0x76: {  	[tilespmem:$0x240] =	vst v5  }
0x77: {  	[tilespmem:$0x250] =	vst v1  }
0x78: {  	[tilespmem:$0x260] =	vst v2  }
0x79: {  	[tilespmem:$0x270] =	vst v3  }
0x7a: {  	[spmem:s15] =	stream.indirect.scatter.add.f32 [tilespmem:s5], [sflag:$0x5], $0x80, s10, s4, $0xb8;
	[tilespmem:$0x1E300] =	vst v63  }
0x7b: {  	s17 =	rddreg [dreg:$0x12]  }
0x7c: {  	[tilespmem:s2], [sflag:$0x1] =	stream.linear.gather [hbm4b:s17+s2], $0x100, $0x38;
	[tilespmem:$0x1E300] =	vst v63  }
0x7d: {  	_ =	swait.ge [sflag:s3], $0x100  }
0x7e: {  	[sflag:s3] =	ssyncset.done $0x0  }
0x7f: {  	[sflag:s3] =	ssyncadd.s32 $0xFFFFFF00  }
0x80: {  	_ =	swait.ge [sflag:s11], $0x4000  }
0x81: {  	[sflag:s11] =	ssyncset.done $0x0  }
0x82: {  	[sflag:s11] =	ssyncadd.s32 $0xFFFFC000  }
0x83: {  	[tilespmem:s5], [sflag:$0x3] =	stream.indirect.gather [hbm4b:s1+s4], $0x80, s2, s4, $0xb8;
	[tilespmem:$0x1E300] =	vst v63  }
0x84: {  	_ =	swait.ge [sflag:s12], $0x4000  }
0x85: {  	[sflag:s12] =	ssyncset.done $0x0  }
0x86: {  	[sflag:s12] =	ssyncadd.s32 $0xFFFFC000  }
0x87: {  	v1 =	vld [tilespmem:$0x1F0]  }
0x88: {  	v2 =	vld [tilespmem:$0x1D0]  }
0x89: {  	v3 =	vld [tilespmem:$0x1E0]  }
0x8a: {  	v62 =	vld [tilespmem:$0x1B0]  }
0x8b: {  	v63 =	vld [tilespmem:$0x1C0]  }
0x8c: {  	v6 =	vld [tilespmem:$0x180];
	[tilespmem:$0x2F0] =	vst v1  }
0x8d: {  	v1 =	vld [tilespmem:$0x1A0];
	[tilespmem:$0x2D0] =	vst v2  }
0x8e: {  	v2 =	vld [tilespmem:$0x190];
	[tilespmem:$0x2E0] =	vst v3  }
0x8f: {  	[tilespmem:$0x2B0] =	vst v62  }
0x90: {  	[tilespmem:$0x2C0] =	vst v63  }
0x91: {  	[tilespmem:$0x280] =	vst v6  }
0x92: {  	[tilespmem:$0x2A0] =	vst v1  }
0x93: {  	s14 =	sadd.s32 $0xFFFD9800, s16;
	[tilespmem:$0x290] =	vst v2  }
0x94: {  	[spmem:s15] =	stream.indirect.scatter.add.f32 [tilespmem:s8], [sflag:$0x6], $0x80, s28, s4, $0xb8;
	[tilespmem:$0x1E300] =	vst v63  }
0x95: {  	s17 =	sadd.s32 $0x27400, s14  }
0x96: {  	[tilespmem:s6], [sflag:$0x2] =	stream.linear.gather [hbm4b:s17+s2], $0x100, $0x38;
	[tilespmem:$0x1E300] =	vst v63  }
0x97: {  	_ =	swait.ge [sflag:s7], $0x100  }
0x98: {  	[sflag:s7] =	ssyncset.done $0x0  }
0x99: {  	[sflag:s7] =	ssyncadd.s32 $0xFFFFFF00  }
0x9a: {  	_ =	swait.ge [sflag:s29], $0x4000  }
0x9b: {  	[sflag:s29] =	ssyncset.done $0x0  }
0x9c: {  	[sflag:s29] =	ssyncadd.s32 $0xFFFFC000  }
0x9d: {  	[tilespmem:s8], [sflag:$0x4] =	stream.indirect.gather [hbm4b:s1+s4], $0x80, s6, s4, $0xb8;
	[tilespmem:$0x1E300] =	vst v63  }
0x9e: {  	_ =	swait.ge [sflag:s9], $0x4000  }
0x9f: {  	[sflag:s9] =	ssyncset.done $0x0  }
0xa0: {  	[sflag:s9] =	ssyncadd.s32 $0xFFFFC000  }
0xa1: {  	s31 =	simm.s32 $0xFFFDA000;
	v1 =	vld [tilespmem:$0x80]  }
.LBB2_4:
0xa2: {  	p0 =	sne.s32 s31, $0xFFFFF800;
	v2 =	vld [tilespmem:$0xD0];
	s17 =	smov.u32 s31;
	s31 =	sadd.s32 $0x800, s31  }
0xa3: {  	v3 =	vld [tilespmem:$0xF0]  }
0xa4: {  	v4 =	vld [tilespmem:$0xE0]  }
0xa5: {  	v5 =	vld [tilespmem:$0xC0]  }
0xa6: {  	[tilespmem:$0x200] =	vst v1;
	v1 =	vld [tilespmem:$0x90]  }
0xa7: {  	v6 =	vld [tilespmem:$0xA0];
	[tilespmem:$0x250] =	vst v2  }
0xa8: {  	v2 =	vld [tilespmem:$0xB0];
	[tilespmem:$0x270] =	vst v3  }
0xa9: {  	[tilespmem:$0x260] =	vst v4  }
0xaa: {  	[tilespmem:$0x240] =	vst v5  }
0xab: {  	[tilespmem:$0x210] =	vst v1  }
0xac: {  	[tilespmem:$0x220] =	vst v6  }
0xad: {  	s14 =	sadd.s32 $0x27800, s14;
	[tilespmem:$0x230] =	vst v2  }
0xae: {  	[spmem:s15] =	stream.indirect.scatter.add.f32 [tilespmem:s5], [sflag:$0x5], $0x80, s10, s4, $0xb8;
	[tilespmem:$0x1E300] =	vst v63  }
0xaf: {  	_ = 	snop  }
0xb0: {  	[tilespmem:s2], [sflag:$0x1] =	stream.linear.gather [hbm4b:s14+s2], $0x100, $0x38;
	[tilespmem:$0x1E300] =	vst v63  }
0xb1: {  	_ =	swait.ge [sflag:s3], $0x100  }
0xb2: {  	[sflag:s3] =	ssyncset.done $0x0  }
0xb3: {  	[sflag:s3] =	ssyncadd.s32 $0xFFFFFF00  }
0xb4: {  	_ =	swait.ge [sflag:s11], $0x4000  }
0xb5: {  	[sflag:s11] =	ssyncset.done $0x0  }
0xb6: {  	[sflag:s11] =	ssyncadd.s32 $0xFFFFC000  }
0xb7: {  	[tilespmem:s5], [sflag:$0x3] =	stream.indirect.gather [hbm4b:s1+s4], $0x80, s2, s4, $0xb8;
	[tilespmem:$0x1E300] =	vst v63  }
0xb8: {  	_ =	swait.ge [sflag:s12], $0x4000  }
0xb9: {  	[sflag:s12] =	ssyncset.done $0x0  }
0xba: {  	[sflag:s12] =	ssyncadd.s32 $0xFFFFC000  }
0xbb: {  	v1 =	vld [tilespmem:$0x1F0]  }
0xbc: {  	v2 =	vld [tilespmem:$0x1D0]  }
0xbd: {  	v3 =	vld [tilespmem:$0x1E0]  }
0xbe: {  	v4 =	vld [tilespmem:$0x1B0]  }
0xbf: {  	v5 =	vld [tilespmem:$0x1C0]  }
0xc0: {  	v6 =	vld [tilespmem:$0x180];
	[tilespmem:$0x2F0] =	vst v1  }
0xc1: {  	v1 =	vld [tilespmem:$0x1A0];
	[tilespmem:$0x2D0] =	vst v2  }
0xc2: {  	v2 =	vld [tilespmem:$0x190];
	[tilespmem:$0x2E0] =	vst v3  }
0xc3: {  	[tilespmem:$0x2B0] =	vst v4  }
0xc4: {  	[tilespmem:$0x2C0] =	vst v5  }
0xc5: {  	[tilespmem:$0x280] =	vst v6  }
0xc6: {  	[tilespmem:$0x2A0] =	vst v1  }
0xc7: {  	s14 =	sadd.s32 s17, s16;
	[tilespmem:$0x290] =	vst v2  }
0xc8: {  	[spmem:s15] =	stream.indirect.scatter.add.f32 [tilespmem:s8], [sflag:$0x6], $0x80, s28, s4, $0xb8;
	[tilespmem:$0x1E300] =	vst v63  }
0xc9: {  	s17 =	sadd.s32 $0x27400, s14  }
0xca: {  	[tilespmem:s6], [sflag:$0x2] =	stream.linear.gather [hbm4b:s17+s2], $0x100, $0x38;
	[tilespmem:$0x1E300] =	vst v63  }
0xcb: {  	_ =	swait.ge [sflag:s7], $0x100  }
0xcc: {  	[sflag:s7] =	ssyncset.done $0x0  }
0xcd: {  	[sflag:s7] =	ssyncadd.s32 $0xFFFFFF00  }
0xce: {  	_ =	swait.ge [sflag:s29], $0x4000  }
0xcf: {  	[sflag:s29] =	ssyncset.done $0x0  }
0xd0: {  	[sflag:s29] =	ssyncadd.s32 $0xFFFFC000  }
0xd1: {  	[tilespmem:s8], [sflag:$0x4] =	stream.indirect.gather [hbm4b:s1+s4], $0x80, s6, s4, $0xb8;
	[tilespmem:$0x1E300] =	vst v63  }
.Ltmp1:
0xd2: {  	_ = 	snop;
	(pc) =	sbr.rel @p0 .LBB2_4-.Ltmp1, $4  }
0xd3: {  	_ =	swait.ge [sflag:s9], $0x4000  }
0xd4: {  	[sflag:s9] =	ssyncset.done $0x0  }
0xd5: {  	[sflag:s9] =	ssyncadd.s32 $0xFFFFC000  }
0xd6: {  	v1 =	vld [tilespmem:$0x80]  }
0xd7: {  	v2 =	vld [tilespmem:$0xD0]  }
0xd8: {  	v3 =	vld [tilespmem:$0xF0]  }
0xd9: {  	v4 =	vld [tilespmem:$0xE0]  }
0xda: {  	v5 =	vld [tilespmem:$0xC0]  }
0xdb: {  	v6 =	vld [tilespmem:$0xA0];
	[tilespmem:$0x200] =	vst v1  }
0xdc: {  	v1 =	vld [tilespmem:$0x90];
	[tilespmem:$0x250] =	vst v2  }
0xdd: {  	v2 =	vld [tilespmem:$0xB0];
	[tilespmem:$0x270] =	vst v3  }
0xde: {  	[tilespmem:$0x260] =	vst v4  }
0xdf: {  	[tilespmem:$0x240] =	vst v5  }
0xe0: {  	[tilespmem:$0x220] =	vst v6  }
0xe1: {  	[tilespmem:$0x210] =	vst v1  }
0xe2: {  	[tilespmem:$0x230] =	vst v2  }
0xe3: {  	[spmem:s15] =	stream.indirect.scatter.add.f32 [tilespmem:s5], [sflag:$0x5], $0x80, s10, s4, $0xb8;
	[tilespmem:$0x1E300] =	vst v63  }
0xe4: {  	s14 =	sadd.s32 $0x27800, s14  }
0xe5: {  	[tilespmem:s2], [sflag:$0x1] =	stream.linear.gather [hbm4b:s14+s2], $0x100, $0x38;
	[tilespmem:$0x1E300] =	vst v63  }
0xe6: {  	_ =	swait.ge [sflag:s3], $0x100  }
0xe7: {  	[sflag:s3] =	ssyncset.done $0x0  }
0xe8: {  	[sflag:s3] =	ssyncadd.s32 $0xFFFFFF00  }
0xe9: {  	_ =	swait.ge [sflag:s11], $0x4000  }
0xea: {  	[sflag:s11] =	ssyncset.done $0x0  }
0xeb: {  	[sflag:s11] =	ssyncadd.s32 $0xFFFFC000  }
0xec: {  	[tilespmem:s5], [sflag:$0x3] =	stream.indirect.gather [hbm4b:s1+s4], $0x80, s2, s4, $0xb8;
	[tilespmem:$0x1E300] =	vst v63  }
0xed: {  	_ =	swait.ge [sflag:s12], $0x4000  }
0xee: {  	[sflag:s12] =	ssyncset.done $0x0  }
0xef: {  	[sflag:s12] =	ssyncadd.s32 $0xFFFFC000  }
0xf0: {  	v1 =	vld [tilespmem:$0x180]  }
0xf1: {  	v2 =	vld [tilespmem:$0x190]  }
0xf2: {  	v3 =	vld [tilespmem:$0x1A0]  }
0xf3: {  	v58 =	vld [tilespmem:$0x1B0]  }
0xf4: {  	v59 =	vld [tilespmem:$0x1C0]  }
0xf5: {  	[tilespmem:$0x280] =	vst v1;
	v1 =	vld [tilespmem:$0x1D0]  }
0xf6: {  	[tilespmem:$0x290] =	vst v2;
	v2 =	vld [tilespmem:$0x1E0]  }
0xf7: {  	[tilespmem:$0x2A0] =	vst v3;
	v3 =	vld [tilespmem:$0x1F0]  }
0xf8: {  	[tilespmem:$0x2B0] =	vst v58  }
0xf9: {  	[tilespmem:$0x2C0] =	vst v59  }
0xfa: {  	[tilespmem:$0x2D0] =	vst v1  }
0xfb: {  	[tilespmem:$0x2E0] =	vst v2  }
0xfc: {  	[tilespmem:$0x2F0] =	vst v3  }
0xfd: {  	[spmem:s15] =	stream.indirect.scatter.add.f32 [tilespmem:s8], [sflag:$0x6], $0x80, s28, s4, $0xb8;
	[tilespmem:$0x1E300] =	vst v63  }
0xfe: {  	s31 =	rddreg [dreg:$0x13]  }
0xff: {  	[tilespmem:s6], [sflag:$0x2] =	stream.linear.gather [hbm4b:s31+s2], $0x100, $0x38;
	[tilespmem:$0x1E300] =	vst v63  }
0x100: {  	_ =	swait.ge [sflag:s7], $0x100  }
0x101: {  	[sflag:s7] =	ssyncset.done $0x0  }
0x102: {  	[sflag:s7] =	ssyncadd.s32 $0xFFFFFF00  }
0x103: {  	_ =	swait.ge [sflag:s29], $0x4000  }
0x104: {  	[sflag:s29] =	ssyncset.done $0x0  }
0x105: {  	[sflag:s29] =	ssyncadd.s32 $0xFFFFC000  }
0x106: {  	[tilespmem:s8], [sflag:$0x4] =	stream.indirect.gather [hbm4b:s1+s4], $0x80, s6, s4, $0xb8;
	[tilespmem:$0x1E300] =	vst v63  }
0x107: {  	_ =	swait.ge [sflag:s9], $0x4000  }
0x108: {  	[sflag:s9] =	ssyncset.done $0x0  }
0x109: {  	[sflag:s9] =	ssyncadd.s32 $0xFFFFC000  }
0x10a: {  	v1 =	vld [tilespmem:$0x80]  }
0x10b: {  	v2 =	vld [tilespmem:$0x90]  }
0x10c: {  	v3 =	vld [tilespmem:$0xA0]  }
0x10d: {  	v60 =	vld [tilespmem:$0xB0]  }
0x10e: {  	v61 =	vld [tilespmem:$0xC0]  }
0x10f: {  	[tilespmem:$0x200] =	vst v1;
	v1 =	vld [tilespmem:$0xD0]  }
0x110: {  	[tilespmem:$0x210] =	vst v2;
	v2 =	vld [tilespmem:$0xE0]  }
0x111: {  	[tilespmem:$0x220] =	vst v3;
	v3 =	vld [tilespmem:$0xF0]  }
0x112: {  	[tilespmem:$0x230] =	vst v60  }
0x113: {  	[tilespmem:$0x240] =	vst v61  }
0x114: {  	[tilespmem:$0x250] =	vst v1  }
0x115: {  	[tilespmem:$0x260] =	vst v2  }
0x116: {  	[tilespmem:$0x270] =	vst v3  }
0x117: {  	[spmem:s15] =	stream.indirect.scatter.add.f32 [tilespmem:s5], [sflag:$0x5], $0x80, s10, s4, $0xb8;
	[tilespmem:$0x1E300] =	vst v63  }
0x118: {  	_ =	swait.ge [sflag:s12], $0x4000  }
0x119: {  	[sflag:s12] =	ssyncset.done $0x0  }
0x11a: {  	[sflag:s12] =	ssyncadd.s32 $0xFFFFC000  }
0x11b: {  	v1 =	vld [tilespmem:$0x180]  }
0x11c: {  	v2 =	vld [tilespmem:$0x190]  }
0x11d: {  	v3 =	vld [tilespmem:$0x1A0]  }
0x11e: {  	v62 =	vld [tilespmem:$0x1B0]  }
0x11f: {  	v63 =	vld [tilespmem:$0x1C0]  }
0x120: {  	[tilespmem:$0x280] =	vst v1;
	v1 =	vld [tilespmem:$0x1D0]  }
0x121: {  	[tilespmem:$0x290] =	vst v2;
	v2 =	vld [tilespmem:$0x1E0]  }
0x122: {  	[tilespmem:$0x2A0] =	vst v3;
	v3 =	vld [tilespmem:$0x1F0]  }
0x123: {  	[tilespmem:$0x2B0] =	vst v62  }
0x124: {  	[tilespmem:$0x2C0] =	vst v63  }
0x125: {  	[tilespmem:$0x2D0] =	vst v1  }
0x126: {  	[tilespmem:$0x2E0] =	vst v2  }
0x127: {  	[tilespmem:$0x2F0] =	vst v3  }
0x128: {  	[spmem:s15] =	stream.indirect.scatter.add.f32 [tilespmem:s8], [sflag:$0x6], $0x80, s28, s4, $0xb8;
	[tilespmem:$0x1E300] =	vst v63  }
0x129: {  	_ =	swait.ge [sflag:s11], $0x4000  }
0x12a: {  	[sflag:s11] =	ssyncset.done $0x0  }
0x12b: {  	[sflag:s11] =	ssyncadd.s32 $0xFFFFC000  }
0x12c: {  	_ =	swait.ge [sflag:s29], $0x4000  }
0x12d: {  	[sflag:s29] =	ssyncset.done $0x0  }
0x12e: {  	[sflag:s29] =	ssyncadd.s32 $0xFFFFC000  }
0x12f: {  	s17 =	stileid.u32;
	[bflag:$0x0] =	sbarrier.arrive $0xFFFF  }
0x130: {  	s14 =	sshll.u32 s17, $0x6;
	s17 =	rddreg [dreg:$0xf]  }
0x131: {  	s14 =	sor.u32 $0x1C07, s14;
	s31 =	rddreg [dreg:$0x4];
	s17 =	sshrl.u32 s17, $0x3  }
0x132: {  	[hbm:s31], [sflag:s14] =	dma.local [spmem:s17], $0x400  }
0x133: {  	s17 =	sshrl.u32 s18, $0x3;
	s31 =	rddreg [dreg:$0x5]  }
0x134: {  	[hbm:s31], [sflag:s14] =	dma.local [spmem:s17], $0x400  }
0x135: {  	s17 =	sshrl.u32 s19, $0x3;
	s31 =	rddreg [dreg:$0x6]  }
0x136: {  	[hbm:s31], [sflag:s14] =	dma.local [spmem:s17], $0x400  }
0x137: {  	s17 =	sshrl.u32 s20, $0x3;
	s31 =	rddreg [dreg:$0x7]  }
0x138: {  	[hbm:s31], [sflag:s14] =	dma.local [spmem:s17], $0x400  }
0x139: {  	s17 =	sshrl.u32 s21, $0x3;
	s31 =	rddreg [dreg:$0x8]  }
0x13a: {  	[hbm:s31], [sflag:s14] =	dma.local [spmem:s17], $0x400  }
0x13b: {  	s17 =	sshrl.u32 s22, $0x3;
	s31 =	rddreg [dreg:$0x9]  }
0x13c: {  	[hbm:s31], [sflag:s14] =	dma.local [spmem:s17], $0x400  }
0x13d: {  	s17 =	sshrl.u32 s23, $0x3;
	s31 =	rddreg [dreg:$0xa]  }
0x13e: {  	[hbm:s31], [sflag:s14] =	dma.local [spmem:s17], $0x400  }
0x13f: {  	s17 =	sshrl.u32 s24, $0x3;
	s31 =	rddreg [dreg:$0xb]  }
0x140: {  	[hbm:s31], [sflag:s14] =	dma.local [spmem:s17], $0x400  }
0x141: {  	s17 =	sshrl.u32 s25, $0x3;
	s31 =	rddreg [dreg:$0xc]  }
0x142: {  	[hbm:s31], [sflag:s14] =	dma.local [spmem:s17], $0x400  }
0x143: {  	s17 =	sshrl.u32 s26, $0x3;
	s31 =	rddreg [dreg:$0xd]  }
0x144: {  	[hbm:s31], [sflag:s14] =	dma.local [spmem:s17], $0x400  }
0x145: {  	_ =	swait.ge [sflag:s0], $0x400  }
0x146: {  	[sflag:s0] =	ssyncset.done $0x0  }
0x147: {  	[sflag:s0] =	ssyncadd.s32 $0xFFFFFC00  }
0x148: {  	_ =	swait.ge [sflag:s0], $0x400  }
0x149: {  	[sflag:s0] =	ssyncset.done $0x0  }
0x14a: {  	[sflag:s0] =	ssyncadd.s32 $0xFFFFFC00  }
0x14b: {  	_ =	swait.ge [sflag:s0], $0x400  }
0x14c: {  	[sflag:s0] =	ssyncset.done $0x0  }
0x14d: {  	[sflag:s0] =	ssyncadd.s32 $0xFFFFFC00  }
0x14e: {  	_ =	swait.ge [sflag:s0], $0x400  }
0x14f: {  	[sflag:s0] =	ssyncset.done $0x0  }
0x150: {  	[sflag:s0] =	ssyncadd.s32 $0xFFFFFC00  }
0x151: {  	_ =	swait.ge [sflag:s0], $0x400  }
0x152: {  	[sflag:s0] =	ssyncset.done $0x0  }
0x153: {  	[sflag:s0] =	ssyncadd.s32 $0xFFFFFC00  }
0x154: {  	_ =	swait.ge [sflag:s0], $0x400  }
0x155: {  	[sflag:s0] =	ssyncset.done $0x0  }
0x156: {  	[sflag:s0] =	ssyncadd.s32 $0xFFFFFC00  }
0x157: {  	_ =	swait.ge [sflag:s0], $0x400  }
0x158: {  	[sflag:s0] =	ssyncset.done $0x0  }
0x159: {  	[sflag:s0] =	ssyncadd.s32 $0xFFFFFC00  }
0x15a: {  	_ =	swait.ge [sflag:s0], $0x400  }
0x15b: {  	[sflag:s0] =	ssyncset.done $0x0  }
0x15c: {  	[sflag:s0] =	ssyncadd.s32 $0xFFFFFC00  }
0x15d: {  	_ =	swait.ge [sflag:s0], $0x400  }
0x15e: {  	[sflag:s0] =	ssyncset.done $0x0  }
0x15f: {  	[sflag:s0] =	ssyncadd.s32 $0xFFFFFC00  }
0x160: {  	_ =	swait.ge [sflag:s0], $0x400  }
0x161: {  	s30 =	sadd.s32 $0x1, s30;
	s31 =	rddreg [dreg:$0x10]  }
0x162: {  	p0 =	sne.s32 s30, s31  }
.Ltmp2:
0x163: {  	_ = 	snop;
	(pc) =	sbr.rel @p0 .LBB2_1-.Ltmp2, $3  }
0x164: {  	_ =	sdelay $0x1  }
0x165: {  	[sflag:s0] =	ssyncset.done $0x0  }
0x166: {  	[sflag:s0] =	ssyncadd.s32 $0xFFFFFC00  }
0x167: {  	_ =	sfence.sel $0x180000  }
0x168: {  	[bflag:$0x0] =	sbarrier.arrive $0xFFFF  }
0x169: {  	_ =	strace $0x9000004A  }
0x16a: {  	s0 =	stileid.u32;
	[bflag:$0x2] =	sbarrier.arrive $0xFFFF  }
0x16b: {  	p0 =	sne.s32 s0, $0x0;
	s0 =	rddreg [dreg:$0x3]  }
0x16c: {  	s0 =	sadd.s32 @!p0 $0x100000, s0  }
0x16d: {  	[sflag:s0] =	ssyncadd.tile.s32 @!p0 $0x1;
	_ =	shalt  }
.Lfunc_end2:
_tile_overlayer_lowered:
.L_overlay_start_2:
0x16e: {  	(tag) =	ssettag $0x2  }
0x16f: {  	s0 =	rddreg [dreg:$0x0];
	s2 =	stileid.u32  }
0x170: {  	s1 =	rddreg [dreg:$0x1];
	p0 =	sne.s32 s2, $0x0  }
0x171: {  	s3 =	rddreg [dreg:$0x2];
	[bflag:$0x3] =	sbarrier.arrive $0xFFFF;
	s2 =	simm.s32 @!p0 $0x1C08  }
0x172: {  	[timem:s3], [sflag:s2] =	dma.local @!p0 [hbm:s0], s1  }
0x173: {  	s0 =	simm.s32 @!p0 $0x8  }
0x174: {  	_ =	swait.ge @!p0 [sflag:s0], s1  }
0x175: {  	s1 =	ssub.s32 @!p0 $0x0, s1;
	[sflag:s0] =	ssyncset.done @!p0 $0x0  }
0x176: {  	[sflag:s0] =	ssyncadd.s32 @!p0 s1  }
0x177: {  	[bflag:$0x3] =	sbarrier.arrive $0xFFFF  }
0x178: {  	_ =	shalt  }

</sc_bundles>
